<compile_context>
chip_gen: v7x
topology: tpu7x:2x2x1
jax: 0.10.2.dev20260603
libtpu: 0.0.44.dev20260713+nightly
codegen_flags: <defaults>
</compile_context>

<pallas_src>
import functools

import jax
import jax.numpy as jnp
from jax import lax
from jax.experimental import pallas as pl
from jax.experimental.pallas import tpu as pltpu
from jax.experimental.pallas import tpu_sc as plsc

_P = 0.5
_B, _C, _T = 32, 128, 8192
_L = 16


def _indices(B, T):
    prob = jnp.array([_P / 2.0, 1.0 - _P, _P / 2.0], dtype=jnp.float32)
    key = jax.random.key(42)
    d = jax.random.categorical(key, jnp.log(prob), shape=(B, T)) - 1
    d = d.at[:, 0].set(jnp.clip(d[:, 0], 0, 1))
    d = d.at[:, -1].set(jnp.clip(d[:, -1], -1, 0))
    return (d + jnp.arange(T, dtype=d.dtype)).astype(jnp.int32)


_mesh = plsc.VectorSubcoreMesh(core_axis_name="c", subcore_axis_name="s")


_G = 4
_H = 2
_NG = _C // _G


@functools.partial(
    pl.kernel,
    mesh=_mesh,
    out_type=jax.ShapeDtypeStruct((_B, _C, _T), jnp.float32),
    scratch_types=[
        pltpu.VMEM((_T,), jnp.int32),
        pltpu.VMEM((_G, _T), jnp.float32),
        pltpu.VMEM((_G, _T), jnp.float32),
        pltpu.VMEM((_H, _T), jnp.float32),
        pltpu.VMEM((_H, _T), jnp.float32),
        pltpu.SemaphoreType.DMA,
        pltpu.SemaphoreType.DMA,
        pltpu.SemaphoreType.DMA,
        pltpu.SemaphoreType.DMA,
    ],
    compiler_params=pltpu.CompilerParams(needs_layout_passes=False),
)
def _jitter_sc(x_hbm, idx_hbm, out_hbm, idx_v, row0, row1, ohalf0, ohalf1,
               in0, in1, out0, out1):
    b = lax.axis_index("s") * 2 + lax.axis_index("c")
    pltpu.sync_copy(idx_hbm.at[b], idx_v)

    rows = (row0, row1)
    ohalves = (ohalf0, ohalf1)
    in_sems = (in0, in1)
    out_sems = (out0, out1)

    def gather_half(rb, ob, r0):
        @plsc.parallel_loop(0, _T // _L, unroll=8)
        def _(o):
            iv = idx_v[pl.ds(o * _L, _L)]
            for r in range(_H):
                rv = jnp.full((_L,), r0 + r, jnp.int32)
                ob[r, pl.ds(o * _L, _L)] = plsc.load_gather(rb, [rv, iv])

    pltpu.async_copy(x_hbm.at[b, pl.ds(0, _G)], row0, in0)

    def pair_body(p, carry):
        g0 = 2 * p
        for k in range(2):
            g = g0 + k
            rb = rows[k]
            c = g * _G
            pltpu.make_async_copy(x_hbm.at[b, pl.ds(c, _G)], rb,
                                  in_sems[k]).wait()
            @pl.when(g + 1 < _NG)
            def _():
                nk = 1 - k
                pltpu.async_copy(x_hbm.at[b, pl.ds(c + _G, _G)],
                                 rows[nk], in_sems[nk])
            for h in range(_G // _H):
                ob = ohalves[h]
                @pl.when(g > 0)
                def _():
                    pltpu.make_async_copy(
                        ob, out_hbm.at[b, pl.ds(c - _G + h * _H, _H)],
                        out_sems[h]).wait()
                gather_half(rb, ob, h * _H)
                pltpu.async_copy(ob, out_hbm.at[b, pl.ds(c + h * _H, _H)],
                                 out_sems[h])
        return carry

    lax.fori_loop(0, _NG // 2, pair_body, 0)
    clast = (_NG - 1) * _G
    pltpu.make_async_copy(ohalf0, out_hbm.at[b, pl.ds(clast, _H)],
                          out0).wait()
    pltpu.make_async_copy(ohalf1, out_hbm.at[b, pl.ds(clast + _H, _H)],
                          out1).wait()


def kernel(x):
    idx = _indices(_B, _T)
    return _jitter_sc(x, idx)

# --- scband reference (transcript-rebuilt; emitter-appended) ---
"""Pipeline reference for scband-jitter-84765474553869 (READ-ONLY COPY).

The authoritative reference and input builder live on the scoring server;
editing this copy changes nothing except your own understanding.
"""

import jax, jax.numpy as jnp
import numpy as np

P = 0.5


def _jitter_index(B, T):
    prob = jnp.array([P / 2.0, 1.0 - P, P / 2.0], dtype=jnp.float32)
    key = jax.random.key(42)
    idx = jax.random.categorical(key, jnp.log(prob), shape=(B, T)) - 1
    idx = idx.at[:, 0].set(jnp.clip(idx[:, 0], 0, 1))
    idx = idx.at[:, -1].set(jnp.clip(idx[:, -1], -1, 0))
    idx = idx + jnp.arange(T, dtype=idx.dtype)
    return idx


def setup_inputs(seed: int = 0) -> dict:
    key = jax.random.key(seed)
    x = jax.random.normal(key, (32, 128, 8192), dtype=jnp.float32)
    return {"x": x}


def reference(x):
    B, C, T = x.shape
    idx = _jitter_index(B, T)
    idx_full = jnp.broadcast_to(idx[:, None, :], (B, C, T))
    return jnp.take_along_axis(x, idx_full, axis=2)

if __name__ == "__main__":
    import jax
    _d = setup_inputs()
    print(jax.jit(kernel)(*tuple(_d.values())))

</pallas_src>

<mosaic_0001>
#map = affine_map<(d0, d1) -> (0, 0, 0)>
#map1 = affine_map<(d0, d1) -> (0, 0)>
module attributes {stable_mosaic.version = 14 : i64} {
  func.func @_jitter_sc(%arg0: i32, %arg1: i32, %arg2: memref<32x128x8192xf32, #tpu.memory_space<hbm>>, %arg3: memref<32x8192xi32, #tpu.memory_space<hbm>>, %arg4: memref<32x128x8192xf32, #tpu.memory_space<hbm>>, %arg5: memref<8192xi32, #tpu.memory_space<vmem>>, %arg6: memref<4x8192xf32, #tpu.memory_space<vmem>>, %arg7: memref<4x8192xf32, #tpu.memory_space<vmem>>, %arg8: memref<2x8192xf32, #tpu.memory_space<vmem>>, %arg9: memref<2x8192xf32, #tpu.memory_space<vmem>>, %arg10: memref<!tpu.dma_semaphore, #tpu.memory_space<semaphore_mem>>, %arg11: memref<!tpu.dma_semaphore, #tpu.memory_space<semaphore_mem>>, %arg12: memref<!tpu.dma_semaphore, #tpu.memory_space<semaphore_mem>>, %arg13: memref<!tpu.dma_semaphore, #tpu.memory_space<semaphore_mem>>) attributes {dimension_semantics = [#tpu.dimension_semantics<core_parallel>, #tpu.dimension_semantics<subcore_parallel>], iteration_bounds = array<i64: 2, 16>, scalar_prefetch = 0 : i64, scratch_operands = 9 : i64, tpu.core_type = #tpu.core_type<sc_vector_subcore>, window_params = [{transform_indices = #map}, {transform_indices = #map1}, {transform_indices = #map}]} {
    %mul3A = arith.constant 2 : i32
    %mul3A_0 = arith.muli %arg1, %mul3A : i32
    %add3A = arith.addi %mul3A_0, %arg0 : i32
    "tpu.region"() ({
      %run_scoped3A = tpu.sem_alloc : memref<!tpu.dma_semaphore, #tpu.memory_space<semaphore_mem>>
      %dma_start3A_28 = arith.constant 0 : i32
      %dma_start3A_29 = tpu.memref_slice %arg3[%add3A, %dma_start3A_28] : memref<32x8192xi32, #tpu.memory_space<hbm>> -> memref<1x8192xi32, #tpu.memory_space<hbm>>
      %dma_start3A_30 = tpu.memref_squeeze %dma_start3A_29 : memref<1x8192xi32, #tpu.memory_space<hbm>> -> memref<8192xi32, #tpu.memory_space<hbm>>
      %dma_start3A_31 = arith.constant 0 : i32
      %dma_start3A_32 = tpu.memref_slice %arg3[%add3A, %dma_start3A_31] : memref<32x8192xi32, #tpu.memory_space<hbm>> -> memref<1x8192xi32, #tpu.memory_space<hbm>>
      %dma_start3A_33 = tpu.memref_squeeze %dma_start3A_32 : memref<1x8192xi32, #tpu.memory_space<hbm>> -> memref<8192xi32, #tpu.memory_space<hbm>>
      tpu.enqueue_dma source(%dma_start3A_33 : memref<8192xi32, #tpu.memory_space<hbm>>) target(%arg5 : memref<8192xi32, #tpu.memory_space<vmem>>) target_semaphore(%run_scoped3A : memref<!tpu.dma_semaphore, #tpu.memory_space<semaphore_mem>>)
      %dma_wait3A_34 = arith.constant 0 : i32
      %dma_wait3A_35 = tpu.memref_slice %arg3[%add3A, %dma_wait3A_34] : memref<32x8192xi32, #tpu.memory_space<hbm>> -> memref<1x8192xi32, #tpu.memory_space<hbm>>
      %dma_wait3A_36 = tpu.memref_squeeze %dma_wait3A_35 : memref<1x8192xi32, #tpu.memory_space<hbm>> -> memref<8192xi32, #tpu.memory_space<hbm>>
      %dma_wait3A_37 = arith.constant 0 : i32
      %dma_wait3A_38 = tpu.memref_slice %arg3[%add3A, %dma_wait3A_37] : memref<32x8192xi32, #tpu.memory_space<hbm>> -> memref<1x8192xi32, #tpu.memory_space<hbm>>
      %dma_wait3A_39 = tpu.memref_squeeze %dma_wait3A_38 : memref<1x8192xi32, #tpu.memory_space<hbm>> -> memref<8192xi32, #tpu.memory_space<hbm>>
      tpu.wait_dma2 semaphore(%run_scoped3A : memref<!tpu.dma_semaphore, #tpu.memory_space<semaphore_mem>>) src(%dma_wait3A_39 : memref<8192xi32, #tpu.memory_space<hbm>>) dst(%arg5 : memref<8192xi32, #tpu.memory_space<vmem>>)
      tpu.yield
    }) : () -> ()
    %dma_start3A = arith.constant 0 : i32
    %dma_start3A_1 = arith.constant 0 : i32
    %dma_start3A_2 = tpu.memref_slice %arg2[%add3A, %dma_start3A, %dma_start3A_1] : memref<32x128x8192xf32, #tpu.memory_space<hbm>> -> memref<1x4x8192xf32, #tpu.memory_space<hbm>>
    %dma_start3A_3 = tpu.memref_squeeze %dma_start3A_2 : memref<1x4x8192xf32, #tpu.memory_space<hbm>> -> memref<4x8192xf32, #tpu.memory_space<hbm>>
    %dma_start3A_4 = arith.constant 0 : i32
    %dma_start3A_5 = arith.constant 0 : i32
    %dma_start3A_6 = tpu.memref_slice %arg2[%add3A, %dma_start3A_4, %dma_start3A_5] : memref<32x128x8192xf32, #tpu.memory_space<hbm>> -> memref<1x4x8192xf32, #tpu.memory_space<hbm>>
    %dma_start3A_7 = tpu.memref_squeeze %dma_start3A_6 : memref<1x4x8192xf32, #tpu.memory_space<hbm>> -> memref<4x8192xf32, #tpu.memory_space<hbm>>
    tpu.enqueue_dma source(%dma_start3A_7 : memref<4x8192xf32, #tpu.memory_space<hbm>>) target(%arg6 : memref<4x8192xf32, #tpu.memory_space<vmem>>) target_semaphore(%arg10 : memref<!tpu.dma_semaphore, #tpu.memory_space<semaphore_mem>>)
    %scan3A = arith.constant 0 : i32
    %scan3A_8 = arith.constant 0 : i32
    %scan3A_9 = arith.constant 16 : i32
    %scan3A_10 = arith.addi %scan3A_8, %scan3A_9 : i32
    %scan3A_11 = arith.constant 1 : i32
    scf.for %scan3A_28 = %scan3A_8 to %scan3A_10 step %scan3A_11  : i32 {
      %mul3A_29 = arith.constant 2 : i32
      %mul3A_30 = arith.muli %mul3A_29, %scan3A_28 : i32
      %add3A_31 = arith.constant 0 : i32
      %add3A_32 = arith.addi %mul3A_30, %add3A_31 : i32
      %mul3A_33 = arith.constant 4 : i32
      %mul3A_34 = arith.muli %add3A_32, %mul3A_33 : i32
      %dma_wait3A_35 = arith.constant 0 : i32
      %dma_wait3A_36 = tpu.memref_slice %arg2[%add3A, %mul3A_34, %dma_wait3A_35] : memref<32x128x8192xf32, #tpu.memory_space<hbm>> -> memref<1x4x8192xf32, #tpu.memory_space<hbm>>
      %dma_wait3A_37 = tpu.memref_squeeze %dma_wait3A_36 : memref<1x4x8192xf32, #tpu.memory_space<hbm>> -> memref<4x8192xf32, #tpu.memory_space<hbm>>
      %dma_wait3A_38 = arith.constant 0 : i32
      %dma_wait3A_39 = tpu.memref_slice %arg2[%add3A, %mul3A_34, %dma_wait3A_38] : memref<32x128x8192xf32, #tpu.memory_space<hbm>> -> memref<1x4x8192xf32, #tpu.memory_space<hbm>>
      %dma_wait3A_40 = tpu.memref_squeeze %dma_wait3A_39 : memref<1x4x8192xf32, #tpu.memory_space<hbm>> -> memref<4x8192xf32, #tpu.memory_space<hbm>>
      tpu.wait_dma2 semaphore(%arg10 : memref<!tpu.dma_semaphore, #tpu.memory_space<semaphore_mem>>) src(%dma_wait3A_40 : memref<4x8192xf32, #tpu.memory_space<hbm>>) dst(%arg6 : memref<4x8192xf32, #tpu.memory_space<vmem>>)
      %add3A_41 = arith.constant 1 : i32
      %add3A_42 = arith.addi %add3A_32, %add3A_41 : i32
      %lt3A = arith.constant 32 : i32
      %lt3A_43 = arith.cmpi slt, %add3A_42, %lt3A : i32
      %convert_element_type3A = arith.extui %lt3A_43 : i1 to i32
      %cond3A = arith.constant 0 : i32
      %cond3A_44 = arith.cmpi ne, %convert_element_type3A, %cond3A : i32
      scf.if %cond3A_44 {
        %add3A_124 = arith.constant 4 : i32
        %add3A_125 = arith.addi %mul3A_34, %add3A_124 : i32
        %dma_start3A_126 = arith.constant 0 : i32
        %dma_start3A_127 = tpu.memref_slice %arg2[%add3A, %add3A_125, %dma_start3A_126] : memref<32x128x8192xf32, #tpu.memory_space<hbm>> -> memref<1x4x8192xf32, #tpu.memory_space<hbm>>
        %dma_start3A_128 = tpu.memref_squeeze %dma_start3A_127 : memref<1x4x8192xf32, #tpu.memory_space<hbm>> -> memref<4x8192xf32, #tpu.memory_space<hbm>>
        %dma_start3A_129 = arith.constant 0 : i32
        %dma_start3A_130 = tpu.memref_slice %arg2[%add3A, %add3A_125, %dma_start3A_129] : memref<32x128x8192xf32, #tpu.memory_space<hbm>> -> memref<1x4x8192xf32, #tpu.memory_space<hbm>>
        %dma_start3A_131 = tpu.memref_squeeze %dma_start3A_130 : memref<1x4x8192xf32, #tpu.memory_space<hbm>> -> memref<4x8192xf32, #tpu.memory_space<hbm>>
        tpu.enqueue_dma source(%dma_start3A_131 : memref<4x8192xf32, #tpu.memory_space<hbm>>) target(%arg7 : memref<4x8192xf32, #tpu.memory_space<vmem>>) target_semaphore(%arg11 : memref<!tpu.dma_semaphore, #tpu.memory_space<semaphore_mem>>)
      } else {
      }
      %gt3A = arith.constant 0 : i32
      %gt3A_45 = arith.cmpi sgt, %add3A_32, %gt3A : i32
      %convert_element_type3A_46 = arith.extui %gt3A_45 : i1 to i32
      %cond3A_47 = arith.constant 0 : i32
      %cond3A_48 = arith.cmpi ne, %convert_element_type3A_46, %cond3A_47 : i32
      scf.if %cond3A_48 {
        %sub3A = arith.constant 4 : i32
        %sub3A_124 = arith.subi %mul3A_34, %sub3A : i32
        %add3A_125 = arith.constant 0 : i32
        %add3A_126 = arith.addi %sub3A_124, %add3A_125 : i32
        %dma_wait3A_127 = arith.constant 0 : i32
        %dma_wait3A_128 = tpu.memref_slice %arg4[%add3A, %add3A_126, %dma_wait3A_127] : memref<32x128x8192xf32, #tpu.memory_space<hbm>> -> memref<1x2x8192xf32, #tpu.memory_space<hbm>>
        %dma_wait3A_129 = tpu.memref_squeeze %dma_wait3A_128 : memref<1x2x8192xf32, #tpu.memory_space<hbm>> -> memref<2x8192xf32, #tpu.memory_space<hbm>>
        %dma_wait3A_130 = arith.constant 0 : i32
        %dma_wait3A_131 = tpu.memref_slice %arg4[%add3A, %add3A_126, %dma_wait3A_130] : memref<32x128x8192xf32, #tpu.memory_space<hbm>> -> memref<1x2x8192xf32, #tpu.memory_space<hbm>>
        %dma_wait3A_132 = tpu.memref_squeeze %dma_wait3A_131 : memref<1x2x8192xf32, #tpu.memory_space<hbm>> -> memref<2x8192xf32, #tpu.memory_space<hbm>>
        tpu.wait_dma2 semaphore(%arg12 : memref<!tpu.dma_semaphore, #tpu.memory_space<semaphore_mem>>) src(%arg8 : memref<2x8192xf32, #tpu.memory_space<vmem>>) dst(%dma_wait3A_132 : memref<2x8192xf32, #tpu.memory_space<hbm>>)
      } else {
      }
      %parallel_loop3A = arith.constant 0 : i32
      %parallel_loop3A_49 = arith.constant 512 : i32
      %parallel_loop3A_50 = arith.constant 1 : i32
      scf.for %parallel_loop3A_124 = %parallel_loop3A to %parallel_loop3A_49 step %parallel_loop3A_50  : i32 {
        %parallel_loop3A_125 = arith.constant 16 : i32
        %parallel_loop3A_126 = arith.muli %parallel_loop3A_124, %parallel_loop3A_125 : i32
        %parallel_loop3A_127 = arith.index_cast %parallel_loop3A_126 : i32 to index
        %parallel_loop3A_128 = tpu.vector_load %arg5[%parallel_loop3A_127] {strides = array<i32>} : memref<8192xi32, #tpu.memory_space<vmem>>, vector<16xi32>,
        %parallel_loop3A_129 = arith.constant 0 : i32
        %parallel_loop3A_130 = vector.broadcast %parallel_loop3A_129 : i32 to vector<16xi32>
        %parallel_loop3A_131 = tpu.vector_load_idx %arg6[%parallel_loop3A_130, %parallel_loop3A_128] : memref<4x8192xf32, #tpu.memory_space<vmem>>[vector<16xi32>, vector<16xi32>], vector<16xf32>,
        %parallel_loop3A_132 = arith.constant 16 : i32
        %parallel_loop3A_133 = arith.muli %parallel_loop3A_124, %parallel_loop3A_132 : i32
        %parallel_loop3A_134 = arith.constant 0 : i32
        %parallel_loop3A_135 = arith.index_cast %parallel_loop3A_134 : i32 to index
        %parallel_loop3A_136 = arith.index_cast %parallel_loop3A_133 : i32 to index
        %parallel_loop3A_137 = tpu.vector_load %arg8[%parallel_loop3A_135, %parallel_loop3A_136] {strides = array<i32>} : memref<2x8192xf32, #tpu.memory_space<vmem>>, vector<16xf32>,
        tpu.vector_store %arg8[%parallel_loop3A_135, %parallel_loop3A_136], %parallel_loop3A_131 {strides = array<i32>} : memref<2x8192xf32, #tpu.memory_space<vmem>>, vector<16xf32>,
        %parallel_loop3A_138 = arith.constant 1 : i32
        %parallel_loop3A_139 = vector.broadcast %parallel_loop3A_138 : i32 to vector<16xi32>
        %parallel_loop3A_140 = tpu.vector_load_idx %arg6[%parallel_loop3A_139, %parallel_loop3A_128] : memref<4x8192xf32, #tpu.memory_space<vmem>>[vector<16xi32>, vector<16xi32>], vector<16xf32>,
        %parallel_loop3A_141 = arith.constant 16 : i32
        %parallel_loop3A_142 = arith.muli %parallel_loop3A_124, %parallel_loop3A_141 : i32
        %parallel_loop3A_143 = arith.constant 1 : i32
        %parallel_loop3A_144 = arith.index_cast %parallel_loop3A_143 : i32 to index
        %parallel_loop3A_145 = arith.index_cast %parallel_loop3A_142 : i32 to index
        %parallel_loop3A_146 = tpu.vector_load %arg8[%parallel_loop3A_144, %parallel_loop3A_145] {strides = array<i32>} : memref<2x8192xf32, #tpu.memory_space<vmem>>, vector<16xf32>,
        tpu.vector_store %arg8[%parallel_loop3A_144, %parallel_loop3A_145], %parallel_loop3A_140 {strides = array<i32>} : memref<2x8192xf32, #tpu.memory_space<vmem>>, vector<16xf32>,
      } {sc.loop_unroll_factor = 8 : i64, sc.parallel_access}
      %add3A_51 = arith.constant 0 : i32
      %add3A_52 = arith.addi %mul3A_34, %add3A_51 : i32
      %dma_start3A_53 = arith.constant 0 : i32
      %dma_start3A_54 = tpu.memref_slice %arg4[%add3A, %add3A_52, %dma_start3A_53] : memref<32x128x8192xf32, #tpu.memory_space<hbm>> -> memref<1x2x8192xf32, #tpu.memory_space<hbm>>
      %dma_start3A_55 = tpu.memref_squeeze %dma_start3A_54 : memref<1x2x8192xf32, #tpu.memory_space<hbm>> -> memref<2x8192xf32, #tpu.memory_space<hbm>>
      %dma_start3A_56 = arith.constant 0 : i32
      %dma_start3A_57 = tpu.memref_slice %arg4[%add3A, %add3A_52, %dma_start3A_56] : memref<32x128x8192xf32, #tpu.memory_space<hbm>> -> memref<1x2x8192xf32, #tpu.memory_space<hbm>>
      %dma_start3A_58 = tpu.memref_squeeze %dma_start3A_57 : memref<1x2x8192xf32, #tpu.memory_space<hbm>> -> memref<2x8192xf32, #tpu.memory_space<hbm>>
      tpu.enqueue_dma source(%arg8 : memref<2x8192xf32, #tpu.memory_space<vmem>>) target(%dma_start3A_58 : memref<2x8192xf32, #tpu.memory_space<hbm>>) target_semaphore(%arg12 : memref<!tpu.dma_semaphore, #tpu.memory_space<semaphore_mem>>)
      %gt3A_59 = arith.constant 0 : i32
      %gt3A_60 = arith.cmpi sgt, %add3A_32, %gt3A_59 : i32
      %convert_element_type3A_61 = arith.extui %gt3A_60 : i1 to i32
      %cond3A_62 = arith.constant 0 : i32
      %cond3A_63 = arith.cmpi ne, %convert_element_type3A_61, %cond3A_62 : i32
      scf.if %cond3A_63 {
        %sub3A = arith.constant 4 : i32
        %sub3A_124 = arith.subi %mul3A_34, %sub3A : i32
        %add3A_125 = arith.constant 2 : i32
        %add3A_126 = arith.addi %sub3A_124, %add3A_125 : i32
        %dma_wait3A_127 = arith.constant 0 : i32
        %dma_wait3A_128 = tpu.memref_slice %arg4[%add3A, %add3A_126, %dma_wait3A_127] : memref<32x128x8192xf32, #tpu.memory_space<hbm>> -> memref<1x2x8192xf32, #tpu.memory_space<hbm>>
        %dma_wait3A_129 = tpu.memref_squeeze %dma_wait3A_128 : memref<1x2x8192xf32, #tpu.memory_space<hbm>> -> memref<2x8192xf32, #tpu.memory_space<hbm>>
        %dma_wait3A_130 = arith.constant 0 : i32
        %dma_wait3A_131 = tpu.memref_slice %arg4[%add3A, %add3A_126, %dma_wait3A_130] : memref<32x128x8192xf32, #tpu.memory_space<hbm>> -> memref<1x2x8192xf32, #tpu.memory_space<hbm>>
        %dma_wait3A_132 = tpu.memref_squeeze %dma_wait3A_131 : memref<1x2x8192xf32, #tpu.memory_space<hbm>> -> memref<2x8192xf32, #tpu.memory_space<hbm>>
        tpu.wait_dma2 semaphore(%arg13 : memref<!tpu.dma_semaphore, #tpu.memory_space<semaphore_mem>>) src(%arg9 : memref<2x8192xf32, #tpu.memory_space<vmem>>) dst(%dma_wait3A_132 : memref<2x8192xf32, #tpu.memory_space<hbm>>)
      } else {
      }
      %parallel_loop3A_64 = arith.constant 0 : i32
      %parallel_loop3A_65 = arith.constant 512 : i32
      %parallel_loop3A_66 = arith.constant 1 : i32
      scf.for %parallel_loop3A_124 = %parallel_loop3A_64 to %parallel_loop3A_65 step %parallel_loop3A_66  : i32 {
        %parallel_loop3A_125 = arith.constant 16 : i32
        %parallel_loop3A_126 = arith.muli %parallel_loop3A_124, %parallel_loop3A_125 : i32
        %parallel_loop3A_127 = arith.index_cast %parallel_loop3A_126 : i32 to index
        %parallel_loop3A_128 = tpu.vector_load %arg5[%parallel_loop3A_127] {strides = array<i32>} : memref<8192xi32, #tpu.memory_space<vmem>>, vector<16xi32>,
        %parallel_loop3A_129 = arith.constant 2 : i32
        %parallel_loop3A_130 = vector.broadcast %parallel_loop3A_129 : i32 to vector<16xi32>
        %parallel_loop3A_131 = tpu.vector_load_idx %arg6[%parallel_loop3A_130, %parallel_loop3A_128] : memref<4x8192xf32, #tpu.memory_space<vmem>>[vector<16xi32>, vector<16xi32>], vector<16xf32>,
        %parallel_loop3A_132 = arith.constant 16 : i32
        %parallel_loop3A_133 = arith.muli %parallel_loop3A_124, %parallel_loop3A_132 : i32
        %parallel_loop3A_134 = arith.constant 0 : i32
        %parallel_loop3A_135 = arith.index_cast %parallel_loop3A_134 : i32 to index
        %parallel_loop3A_136 = arith.index_cast %parallel_loop3A_133 : i32 to index
        %parallel_loop3A_137 = tpu.vector_load %arg9[%parallel_loop3A_135, %parallel_loop3A_136] {strides = array<i32>} : memref<2x8192xf32, #tpu.memory_space<vmem>>, vector<16xf32>,
        tpu.vector_store %arg9[%parallel_loop3A_135, %parallel_loop3A_136], %parallel_loop3A_131 {strides = array<i32>} : memref<2x8192xf32, #tpu.memory_space<vmem>>, vector<16xf32>,
        %parallel_loop3A_138 = arith.constant 3 : i32
        %parallel_loop3A_139 = vector.broadcast %parallel_loop3A_138 : i32 to vector<16xi32>
        %parallel_loop3A_140 = tpu.vector_load_idx %arg6[%parallel_loop3A_139, %parallel_loop3A_128] : memref<4x8192xf32, #tpu.memory_space<vmem>>[vector<16xi32>, vector<16xi32>], vector<16xf32>,
        %parallel_loop3A_141 = arith.constant 16 : i32
        %parallel_loop3A_142 = arith.muli %parallel_loop3A_124, %parallel_loop3A_141 : i32
        %parallel_loop3A_143 = arith.constant 1 : i32
        %parallel_loop3A_144 = arith.index_cast %parallel_loop3A_143 : i32 to index
        %parallel_loop3A_145 = arith.index_cast %parallel_loop3A_142 : i32 to index
        %parallel_loop3A_146 = tpu.vector_load %arg9[%parallel_loop3A_144, %parallel_loop3A_145] {strides = array<i32>} : memref<2x8192xf32, #tpu.memory_space<vmem>>, vector<16xf32>,
        tpu.vector_store %arg9[%parallel_loop3A_144, %parallel_loop3A_145], %parallel_loop3A_140 {strides = array<i32>} : memref<2x8192xf32, #tpu.memory_space<vmem>>, vector<16xf32>,
      } {sc.loop_unroll_factor = 8 : i64, sc.parallel_access}
      %add3A_67 = arith.constant 2 : i32
      %add3A_68 = arith.addi %mul3A_34, %add3A_67 : i32
      %dma_start3A_69 = arith.constant 0 : i32
      %dma_start3A_70 = tpu.memref_slice %arg4[%add3A, %add3A_68, %dma_start3A_69] : memref<32x128x8192xf32, #tpu.memory_space<hbm>> -> memref<1x2x8192xf32, #tpu.memory_space<hbm>>
      %dma_start3A_71 = tpu.memref_squeeze %dma_start3A_70 : memref<1x2x8192xf32, #tpu.memory_space<hbm>> -> memref<2x8192xf32, #tpu.memory_space<hbm>>
      %dma_start3A_72 = arith.constant 0 : i32
      %dma_start3A_73 = tpu.memref_slice %arg4[%add3A, %add3A_68, %dma_start3A_72] : memref<32x128x8192xf32, #tpu.memory_space<hbm>> -> memref<1x2x8192xf32, #tpu.memory_space<hbm>>
      %dma_start3A_74 = tpu.memref_squeeze %dma_start3A_73 : memref<1x2x8192xf32, #tpu.memory_space<hbm>> -> memref<2x8192xf32, #tpu.memory_space<hbm>>
      tpu.enqueue_dma source(%arg9 : memref<2x8192xf32, #tpu.memory_space<vmem>>) target(%dma_start3A_74 : memref<2x8192xf32, #tpu.memory_space<hbm>>) target_semaphore(%arg13 : memref<!tpu.dma_semaphore, #tpu.memory_space<semaphore_mem>>)
      %add3A_75 = arith.constant 1 : i32
      %add3A_76 = arith.addi %mul3A_30, %add3A_75 : i32
      %mul3A_77 = arith.constant 4 : i32
      %mul3A_78 = arith.muli %add3A_76, %mul3A_77 : i32
      %dma_wait3A_79 = arith.constant 0 : i32
      %dma_wait3A_80 = tpu.memref_slice %arg2[%add3A, %mul3A_78, %dma_wait3A_79] : memref<32x128x8192xf32, #tpu.memory_space<hbm>> -> memref<1x4x8192xf32, #tpu.memory_space<hbm>>
      %dma_wait3A_81 = tpu.memref_squeeze %dma_wait3A_80 : memref<1x4x8192xf32, #tpu.memory_space<hbm>> -> memref<4x8192xf32, #tpu.memory_space<hbm>>
      %dma_wait3A_82 = arith.constant 0 : i32
      %dma_wait3A_83 = tpu.memref_slice %arg2[%add3A, %mul3A_78, %dma_wait3A_82] : memref<32x128x8192xf32, #tpu.memory_space<hbm>> -> memref<1x4x8192xf32, #tpu.memory_space<hbm>>
      %dma_wait3A_84 = tpu.memref_squeeze %dma_wait3A_83 : memref<1x4x8192xf32, #tpu.memory_space<hbm>> -> memref<4x8192xf32, #tpu.memory_space<hbm>>
      tpu.wait_dma2 semaphore(%arg11 : memref<!tpu.dma_semaphore, #tpu.memory_space<semaphore_mem>>) src(%dma_wait3A_84 : memref<4x8192xf32, #tpu.memory_space<hbm>>) dst(%arg7 : memref<4x8192xf32, #tpu.memory_space<vmem>>)
      %add3A_85 = arith.constant 1 : i32
      %add3A_86 = arith.addi %add3A_76, %add3A_85 : i32
      %lt3A_87 = arith.constant 32 : i32
      %lt3A_88 = arith.cmpi slt, %add3A_86, %lt3A_87 : i32
      %convert_element_type3A_89 = arith.extui %lt3A_88 : i1 to i32
      %cond3A_90 = arith.constant 0 : i32
      %cond3A_91 = arith.cmpi ne, %convert_element_type3A_89, %cond3A_90 : i32
      scf.if %cond3A_91 {
        %add3A_124 = arith.constant 4 : i32
        %add3A_125 = arith.addi %mul3A_78, %add3A_124 : i32
        %dma_start3A_126 = arith.constant 0 : i32
        %dma_start3A_127 = tpu.memref_slice %arg2[%add3A, %add3A_125, %dma_start3A_126] : memref<32x128x8192xf32, #tpu.memory_space<hbm>> -> memref<1x4x8192xf32, #tpu.memory_space<hbm>>
        %dma_start3A_128 = tpu.memref_squeeze %dma_start3A_127 : memref<1x4x8192xf32, #tpu.memory_space<hbm>> -> memref<4x8192xf32, #tpu.memory_space<hbm>>
        %dma_start3A_129 = arith.constant 0 : i32
        %dma_start3A_130 = tpu.memref_slice %arg2[%add3A, %add3A_125, %dma_start3A_129] : memref<32x128x8192xf32, #tpu.memory_space<hbm>> -> memref<1x4x8192xf32, #tpu.memory_space<hbm>>
        %dma_start3A_131 = tpu.memref_squeeze %dma_start3A_130 : memref<1x4x8192xf32, #tpu.memory_space<hbm>> -> memref<4x8192xf32, #tpu.memory_space<hbm>>
        tpu.enqueue_dma source(%dma_start3A_131 : memref<4x8192xf32, #tpu.memory_space<hbm>>) target(%arg6 : memref<4x8192xf32, #tpu.memory_space<vmem>>) target_semaphore(%arg10 : memref<!tpu.dma_semaphore, #tpu.memory_space<semaphore_mem>>)
      } else {
      }
      %gt3A_92 = arith.constant 0 : i32
      %gt3A_93 = arith.cmpi sgt, %add3A_76, %gt3A_92 : i32
      %convert_element_type3A_94 = arith.extui %gt3A_93 : i1 to i32
      %cond3A_95 = arith.constant 0 : i32
      %cond3A_96 = arith.cmpi ne, %convert_element_type3A_94, %cond3A_95 : i32
      scf.if %cond3A_96 {
        %sub3A = arith.constant 4 : i32
        %sub3A_124 = arith.subi %mul3A_78, %sub3A : i32
        %add3A_125 = arith.constant 0 : i32
        %add3A_126 = arith.addi %sub3A_124, %add3A_125 : i32
        %dma_wait3A_127 = arith.constant 0 : i32
        %dma_wait3A_128 = tpu.memref_slice %arg4[%add3A, %add3A_126, %dma_wait3A_127] : memref<32x128x8192xf32, #tpu.memory_space<hbm>> -> memref<1x2x8192xf32, #tpu.memory_space<hbm>>
        %dma_wait3A_129 = tpu.memref_squeeze %dma_wait3A_128 : memref<1x2x8192xf32, #tpu.memory_space<hbm>> -> memref<2x8192xf32, #tpu.memory_space<hbm>>
        %dma_wait3A_130 = arith.constant 0 : i32
        %dma_wait3A_131 = tpu.memref_slice %arg4[%add3A, %add3A_126, %dma_wait3A_130] : memref<32x128x8192xf32, #tpu.memory_space<hbm>> -> memref<1x2x8192xf32, #tpu.memory_space<hbm>>
        %dma_wait3A_132 = tpu.memref_squeeze %dma_wait3A_131 : memref<1x2x8192xf32, #tpu.memory_space<hbm>> -> memref<2x8192xf32, #tpu.memory_space<hbm>>
        tpu.wait_dma2 semaphore(%arg12 : memref<!tpu.dma_semaphore, #tpu.memory_space<semaphore_mem>>) src(%arg8 : memref<2x8192xf32, #tpu.memory_space<vmem>>) dst(%dma_wait3A_132 : memref<2x8192xf32, #tpu.memory_space<hbm>>)
      } else {
      }
      %parallel_loop3A_97 = arith.constant 0 : i32
      %parallel_loop3A_98 = arith.constant 512 : i32
      %parallel_loop3A_99 = arith.constant 1 : i32
      scf.for %parallel_loop3A_124 = %parallel_loop3A_97 to %parallel_loop3A_98 step %parallel_loop3A_99  : i32 {
        %parallel_loop3A_125 = arith.constant 16 : i32
        %parallel_loop3A_126 = arith.muli %parallel_loop3A_124, %parallel_loop3A_125 : i32
        %parallel_loop3A_127 = arith.index_cast %parallel_loop3A_126 : i32 to index
        %parallel_loop3A_128 = tpu.vector_load %arg5[%parallel_loop3A_127] {strides = array<i32>} : memref<8192xi32, #tpu.memory_space<vmem>>, vector<16xi32>,
        %parallel_loop3A_129 = arith.constant 0 : i32
        %parallel_loop3A_130 = vector.broadcast %parallel_loop3A_129 : i32 to vector<16xi32>
        %parallel_loop3A_131 = tpu.vector_load_idx %arg7[%parallel_loop3A_130, %parallel_loop3A_128] : memref<4x8192xf32, #tpu.memory_space<vmem>>[vector<16xi32>, vector<16xi32>], vector<16xf32>,
        %parallel_loop3A_132 = arith.constant 16 : i32
        %parallel_loop3A_133 = arith.muli %parallel_loop3A_124, %parallel_loop3A_132 : i32
        %parallel_loop3A_134 = arith.constant 0 : i32
        %parallel_loop3A_135 = arith.index_cast %parallel_loop3A_134 : i32 to index
        %parallel_loop3A_136 = arith.index_cast %parallel_loop3A_133 : i32 to index
        %parallel_loop3A_137 = tpu.vector_load %arg8[%parallel_loop3A_135, %parallel_loop3A_136] {strides = array<i32>} : memref<2x8192xf32, #tpu.memory_space<vmem>>, vector<16xf32>,
        tpu.vector_store %arg8[%parallel_loop3A_135, %parallel_loop3A_136], %parallel_loop3A_131 {strides = array<i32>} : memref<2x8192xf32, #tpu.memory_space<vmem>>, vector<16xf32>,
        %parallel_loop3A_138 = arith.constant 1 : i32
        %parallel_loop3A_139 = vector.broadcast %parallel_loop3A_138 : i32 to vector<16xi32>
        %parallel_loop3A_140 = tpu.vector_load_idx %arg7[%parallel_loop3A_139, %parallel_loop3A_128] : memref<4x8192xf32, #tpu.memory_space<vmem>>[vector<16xi32>, vector<16xi32>], vector<16xf32>,
        %parallel_loop3A_141 = arith.constant 16 : i32
        %parallel_loop3A_142 = arith.muli %parallel_loop3A_124, %parallel_loop3A_141 : i32
        %parallel_loop3A_143 = arith.constant 1 : i32
        %parallel_loop3A_144 = arith.index_cast %parallel_loop3A_143 : i32 to index
        %parallel_loop3A_145 = arith.index_cast %parallel_loop3A_142 : i32 to index
        %parallel_loop3A_146 = tpu.vector_load %arg8[%parallel_loop3A_144, %parallel_loop3A_145] {strides = array<i32>} : memref<2x8192xf32, #tpu.memory_space<vmem>>, vector<16xf32>,
        tpu.vector_store %arg8[%parallel_loop3A_144, %parallel_loop3A_145], %parallel_loop3A_140 {strides = array<i32>} : memref<2x8192xf32, #tpu.memory_space<vmem>>, vector<16xf32>,
      } {sc.loop_unroll_factor = 8 : i64, sc.parallel_access}
      %add3A_100 = arith.constant 0 : i32
      %add3A_101 = arith.addi %mul3A_78, %add3A_100 : i32
      %dma_start3A_102 = arith.constant 0 : i32
      %dma_start3A_103 = tpu.memref_slice %arg4[%add3A, %add3A_101, %dma_start3A_102] : memref<32x128x8192xf32, #tpu.memory_space<hbm>> -> memref<1x2x8192xf32, #tpu.memory_space<hbm>>
      %dma_start3A_104 = tpu.memref_squeeze %dma_start3A_103 : memref<1x2x8192xf32, #tpu.memory_space<hbm>> -> memref<2x8192xf32, #tpu.memory_space<hbm>>
      %dma_start3A_105 = arith.constant 0 : i32
      %dma_start3A_106 = tpu.memref_slice %arg4[%add3A, %add3A_101, %dma_start3A_105] : memref<32x128x8192xf32, #tpu.memory_space<hbm>> -> memref<1x2x8192xf32, #tpu.memory_space<hbm>>
      %dma_start3A_107 = tpu.memref_squeeze %dma_start3A_106 : memref<1x2x8192xf32, #tpu.memory_space<hbm>> -> memref<2x8192xf32, #tpu.memory_space<hbm>>
      tpu.enqueue_dma source(%arg8 : memref<2x8192xf32, #tpu.memory_space<vmem>>) target(%dma_start3A_107 : memref<2x8192xf32, #tpu.memory_space<hbm>>) target_semaphore(%arg12 : memref<!tpu.dma_semaphore, #tpu.memory_space<semaphore_mem>>)
      %gt3A_108 = arith.constant 0 : i32
      %gt3A_109 = arith.cmpi sgt, %add3A_76, %gt3A_108 : i32
      %convert_element_type3A_110 = arith.extui %gt3A_109 : i1 to i32
      %cond3A_111 = arith.constant 0 : i32
      %cond3A_112 = arith.cmpi ne, %convert_element_type3A_110, %cond3A_111 : i32
      scf.if %cond3A_112 {
        %sub3A = arith.constant 4 : i32
        %sub3A_124 = arith.subi %mul3A_78, %sub3A : i32
        %add3A_125 = arith.constant 2 : i32
        %add3A_126 = arith.addi %sub3A_124, %add3A_125 : i32
        %dma_wait3A_127 = arith.constant 0 : i32
        %dma_wait3A_128 = tpu.memref_slice %arg4[%add3A, %add3A_126, %dma_wait3A_127] : memref<32x128x8192xf32, #tpu.memory_space<hbm>> -> memref<1x2x8192xf32, #tpu.memory_space<hbm>>
        %dma_wait3A_129 = tpu.memref_squeeze %dma_wait3A_128 : memref<1x2x8192xf32, #tpu.memory_space<hbm>> -> memref<2x8192xf32, #tpu.memory_space<hbm>>
        %dma_wait3A_130 = arith.constant 0 : i32
        %dma_wait3A_131 = tpu.memref_slice %arg4[%add3A, %add3A_126, %dma_wait3A_130] : memref<32x128x8192xf32, #tpu.memory_space<hbm>> -> memref<1x2x8192xf32, #tpu.memory_space<hbm>>
        %dma_wait3A_132 = tpu.memref_squeeze %dma_wait3A_131 : memref<1x2x8192xf32, #tpu.memory_space<hbm>> -> memref<2x8192xf32, #tpu.memory_space<hbm>>
        tpu.wait_dma2 semaphore(%arg13 : memref<!tpu.dma_semaphore, #tpu.memory_space<semaphore_mem>>) src(%arg9 : memref<2x8192xf32, #tpu.memory_space<vmem>>) dst(%dma_wait3A_132 : memref<2x8192xf32, #tpu.memory_space<hbm>>)
      } else {
      }
      %parallel_loop3A_113 = arith.constant 0 : i32
      %parallel_loop3A_114 = arith.constant 512 : i32
      %parallel_loop3A_115 = arith.constant 1 : i32
      scf.for %parallel_loop3A_124 = %parallel_loop3A_113 to %parallel_loop3A_114 step %parallel_loop3A_115  : i32 {
        %parallel_loop3A_125 = arith.constant 16 : i32
        %parallel_loop3A_126 = arith.muli %parallel_loop3A_124, %parallel_loop3A_125 : i32
        %parallel_loop3A_127 = arith.index_cast %parallel_loop3A_126 : i32 to index
        %parallel_loop3A_128 = tpu.vector_load %arg5[%parallel_loop3A_127] {strides = array<i32>} : memref<8192xi32, #tpu.memory_space<vmem>>, vector<16xi32>,
        %parallel_loop3A_129 = arith.constant 2 : i32
        %parallel_loop3A_130 = vector.broadcast %parallel_loop3A_129 : i32 to vector<16xi32>
        %parallel_loop3A_131 = tpu.vector_load_idx %arg7[%parallel_loop3A_130, %parallel_loop3A_128] : memref<4x8192xf32, #tpu.memory_space<vmem>>[vector<16xi32>, vector<16xi32>], vector<16xf32>,
        %parallel_loop3A_132 = arith.constant 16 : i32
        %parallel_loop3A_133 = arith.muli %parallel_loop3A_124, %parallel_loop3A_132 : i32
        %parallel_loop3A_134 = arith.constant 0 : i32
        %parallel_loop3A_135 = arith.index_cast %parallel_loop3A_134 : i32 to index
        %parallel_loop3A_136 = arith.index_cast %parallel_loop3A_133 : i32 to index
        %parallel_loop3A_137 = tpu.vector_load %arg9[%parallel_loop3A_135, %parallel_loop3A_136] {strides = array<i32>} : memref<2x8192xf32, #tpu.memory_space<vmem>>, vector<16xf32>,
        tpu.vector_store %arg9[%parallel_loop3A_135, %parallel_loop3A_136], %parallel_loop3A_131 {strides = array<i32>} : memref<2x8192xf32, #tpu.memory_space<vmem>>, vector<16xf32>,
        %parallel_loop3A_138 = arith.constant 3 : i32
        %parallel_loop3A_139 = vector.broadcast %parallel_loop3A_138 : i32 to vector<16xi32>
        %parallel_loop3A_140 = tpu.vector_load_idx %arg7[%parallel_loop3A_139, %parallel_loop3A_128] : memref<4x8192xf32, #tpu.memory_space<vmem>>[vector<16xi32>, vector<16xi32>], vector<16xf32>,
        %parallel_loop3A_141 = arith.constant 16 : i32
        %parallel_loop3A_142 = arith.muli %parallel_loop3A_124, %parallel_loop3A_141 : i32
        %parallel_loop3A_143 = arith.constant 1 : i32
        %parallel_loop3A_144 = arith.index_cast %parallel_loop3A_143 : i32 to index
        %parallel_loop3A_145 = arith.index_cast %parallel_loop3A_142 : i32 to index
        %parallel_loop3A_146 = tpu.vector_load %arg9[%parallel_loop3A_144, %parallel_loop3A_145] {strides = array<i32>} : memref<2x8192xf32, #tpu.memory_space<vmem>>, vector<16xf32>,
        tpu.vector_store %arg9[%parallel_loop3A_144, %parallel_loop3A_145], %parallel_loop3A_140 {strides = array<i32>} : memref<2x8192xf32, #tpu.memory_space<vmem>>, vector<16xf32>,
      } {sc.loop_unroll_factor = 8 : i64, sc.parallel_access}
      %add3A_116 = arith.constant 2 : i32
      %add3A_117 = arith.addi %mul3A_78, %add3A_116 : i32
      %dma_start3A_118 = arith.constant 0 : i32
      %dma_start3A_119 = tpu.memref_slice %arg4[%add3A, %add3A_117, %dma_start3A_118] : memref<32x128x8192xf32, #tpu.memory_space<hbm>> -> memref<1x2x8192xf32, #tpu.memory_space<hbm>>
      %dma_start3A_120 = tpu.memref_squeeze %dma_start3A_119 : memref<1x2x8192xf32, #tpu.memory_space<hbm>> -> memref<2x8192xf32, #tpu.memory_space<hbm>>
      %dma_start3A_121 = arith.constant 0 : i32
      %dma_start3A_122 = tpu.memref_slice %arg4[%add3A, %add3A_117, %dma_start3A_121] : memref<32x128x8192xf32, #tpu.memory_space<hbm>> -> memref<1x2x8192xf32, #tpu.memory_space<hbm>>
      %dma_start3A_123 = tpu.memref_squeeze %dma_start3A_122 : memref<1x2x8192xf32, #tpu.memory_space<hbm>> -> memref<2x8192xf32, #tpu.memory_space<hbm>>
      tpu.enqueue_dma source(%arg9 : memref<2x8192xf32, #tpu.memory_space<vmem>>) target(%dma_start3A_123 : memref<2x8192xf32, #tpu.memory_space<hbm>>) target_semaphore(%arg13 : memref<!tpu.dma_semaphore, #tpu.memory_space<semaphore_mem>>)
    }
    %scan3A_12 = arith.constant 16 : i32
    %dma_wait3A = arith.constant 124 : i32
    %dma_wait3A_13 = arith.constant 0 : i32
    %dma_wait3A_14 = tpu.memref_slice %arg4[%add3A, %dma_wait3A, %dma_wait3A_13] : memref<32x128x8192xf32, #tpu.memory_space<hbm>> -> memref<1x2x8192xf32, #tpu.memory_space<hbm>>
    %dma_wait3A_15 = tpu.memref_squeeze %dma_wait3A_14 : memref<1x2x8192xf32, #tpu.memory_space<hbm>> -> memref<2x8192xf32, #tpu.memory_space<hbm>>
    %dma_wait3A_16 = arith.constant 124 : i32
    %dma_wait3A_17 = arith.constant 0 : i32
    %dma_wait3A_18 = tpu.memref_slice %arg4[%add3A, %dma_wait3A_16, %dma_wait3A_17] : memref<32x128x8192xf32, #tpu.memory_space<hbm>> -> memref<1x2x8192xf32, #tpu.memory_space<hbm>>
    %dma_wait3A_19 = tpu.memref_squeeze %dma_wait3A_18 : memref<1x2x8192xf32, #tpu.memory_space<hbm>> -> memref<2x8192xf32, #tpu.memory_space<hbm>>
    tpu.wait_dma2 semaphore(%arg12 : memref<!tpu.dma_semaphore, #tpu.memory_space<semaphore_mem>>) src(%arg8 : memref<2x8192xf32, #tpu.memory_space<vmem>>) dst(%dma_wait3A_19 : memref<2x8192xf32, #tpu.memory_space<hbm>>)
    %dma_wait3A_20 = arith.constant 126 : i32
    %dma_wait3A_21 = arith.constant 0 : i32
    %dma_wait3A_22 = tpu.memref_slice %arg4[%add3A, %dma_wait3A_20, %dma_wait3A_21] : memref<32x128x8192xf32, #tpu.memory_space<hbm>> -> memref<1x2x8192xf32, #tpu.memory_space<hbm>>
    %dma_wait3A_23 = tpu.memref_squeeze %dma_wait3A_22 : memref<1x2x8192xf32, #tpu.memory_space<hbm>> -> memref<2x8192xf32, #tpu.memory_space<hbm>>
    %dma_wait3A_24 = arith.constant 126 : i32
    %dma_wait3A_25 = arith.constant 0 : i32
    %dma_wait3A_26 = tpu.memref_slice %arg4[%add3A, %dma_wait3A_24, %dma_wait3A_25] : memref<32x128x8192xf32, #tpu.memory_space<hbm>> -> memref<1x2x8192xf32, #tpu.memory_space<hbm>>
    %dma_wait3A_27 = tpu.memref_squeeze %dma_wait3A_26 : memref<1x2x8192xf32, #tpu.memory_space<hbm>> -> memref<2x8192xf32, #tpu.memory_space<hbm>>
    tpu.wait_dma2 semaphore(%arg13 : memref<!tpu.dma_semaphore, #tpu.memory_space<semaphore_mem>>) src(%arg9 : memref<2x8192xf32, #tpu.memory_space<vmem>>) dst(%dma_wait3A_27 : memref<2x8192xf32, #tpu.memory_space<hbm>>)
    return
  }
}

</mosaic_0001>

<sc_bundles>
// kernel: kernel.3.cloned.1.call-start
scs
__scs_entry_jumppad:
0x0: {  	(pc) =	sbr.rel $0x88, $3  }
0x1: {  	(tag) =	ssettag $0x0;
	lr =	simm.s32 $0x1  }
0x2: {  	[smem:$0x3FA0] =	sst lr;
	_ =	strace $0xD0000000  }
0x3: {  	_ = 	snop  }
0x4: {  	_ = 	snop  }
0x5: {  	_ = 	snop  }
0x6: {  	_ = 	snop  }
0x7: {  	_ = 	snop  }
__scs_overlays_trampoline_lowered:
0x8: {  	[smem:$0x3FAF] =	sst s0  }
0x9: {  	[smem:$0x3FB0] =	sst s1  }
0xa: {  	[smem:$0x3FB1] =	sst s2  }
0xb: {  	[smem:$0x3FB2] =	sst s3  }
0xc: {  	[smem:$0x3FB3] =	sst s4  }
0xd: {  	[smem:$0x3FB4] =	sst s5  }
0xe: {  	[smem:$0x3FB5] =	sst s6  }
0xf: {  	[smem:$0x3FB6] =	sst s7  }
0x10: {  	[smem:$0x3FB7] =	sst s8  }
0x11: {  	[smem:$0x3FB8] =	sst s9;
	s0 =	simm.s32 @!p0 $0x0  }
0x12: {  	s1 =	sld [smem:$0x3F9E];
	s0 =	simm.s32 @p0 $0x1  }
0x13: {  	[smem:$0x3FB9] =	sst s0;
	s0 =	simm.s32 @!p1 $0x0  }
0x14: {  	s2 =	sld [smem:$0x3F9D];
	s0 =	simm.s32 @p1 $0x1  }
0x15: {  	[smem:$0x3FBA] =	sst s0;
	s0 =	simm.s32 @!p2 $0x0  }
0x16: {  	s3 =	sld [smem:$0x3FDB];
	s0 =	simm.s32 @p2 $0x1  }
0x17: {  	s4 =	simm.s32 $0x1BF5;
	[smem:$0x3FBC] =	sst s0  }
0x18: {  	s0 =	sld [smem:$0x3F9F];
	_ =	swait.ge [sflag:s4], $0x0  }
0x19: {  	s7 =	sld [smem:$0x3FA0]  }
0x1a: {  	s8 =	sadd.s32 $0xFFFFE003, lr  }
0x1b: {  	s9 =	sadd.s32 $0xFFFFFEF7, lr;
	s5 =	simm.s32 $0xFFFFFFFF;
	p2 =	slt.u32 s8, $0xFFFFF086  }
0x1c: {  	p1 =	slt.u32 s9, $0xF7A;
	s5 =	simm.s32 @!p2 $0x0  }
0x1d: {  	s5 =	simm.s32 @p1 $0x1;
	p0 =	seq.s32 s7, s2  }
0x1e: {  	s7 =	smul.u32 @!p0 $0xF7A, s2;
	p2 =	seq.s32 @!p0 s5, $0x0  }
0x1f: {  	s9 =	smul.u32 $0xF7A, s1;
	s8 =	simm.s32 @!p0 $0x1BF5;
	p2 =	por !p2, p0  }
0x20: {  	[sflag:s8] =	ssyncset.s32 @!p0 $0xFFFFF086;
	s6 =	sadd.s32 @!p0 s3, s7;
	s7 =	simm.s32 @!p0 $0x108  }
0x21: {  	s3 =	sadd.s32 s3, s9;
	s6 =	sadd.s32 @!p0 $0x88, s6;
	s7 =	simm.s32 @p2 $0x1082  }
0x22: {  	[simem:s7], [sflag:s8] =	dma.local @!p0 [hbm:s6], $0xF7A  }
0x23: {  	s9 =	sor.u32 $0xD0000000, s2;
	s6 =	simm.s32 $0x108;
	_ =	swait.ge @!p0 [sflag:s8], $0x0  }
0x24: {  	s3 =	sadd.s32 $0x88, s3;
	s6 =	simm.s32 @!p1 $0x1082;
	[sflag:s4] =	ssyncset.s32 $0xFFFFF086  }
0x25: {  	[simem:s6], [sflag:s4] =	dma.local [hbm:s3], $0xF7A  }
0x26: {  	[smem:$0x3FA0] =	sst s1;
	(tag) =	ssettag s2;
	_ =	strace s9  }
0x27: {  	s1 =	sld [smem:$0x3FB0]  }
0x28: {  	s2 =	sld [smem:$0x3FB1]  }
0x29: {  	s4 =	sld [smem:$0x3FB3]  }
0x2a: {  	p0 =	seq.s32 s5, $0x0;
	s5 =	sld [smem:$0x3FB4]  }
0x2b: {  	s6 =	sld [smem:$0x3FB5]  }
0x2c: {  	s7 =	sld [smem:$0x3FB6]  }
0x2d: {  	s3 =	simm.s32 $0x108;
	s8 =	sld [smem:$0x3FB7]  }
0x2e: {  	s3 =	simm.s32 @!p0 $0x1082;
	s9 =	sld [smem:$0x3FB8]  }
0x2f: {  	lr =	sadd.s32 s0, s3;
	s0 =	sld [smem:$0x3FAF]  }
0x30: {  	s3 =	sld [smem:$0x3FB2]  }
0x31: {  	[smem:$0x3FBB] =	sst s10  }
0x32: {  	s10 =	sld [smem:$0x3FB9];
	_ =	sdelay $0x3  }
0x33: {  	p0 =	seq.s32 s10, $0x1;
	s10 =	sld [smem:$0x3FBB];
	_ =	sdelay $0x3  }
0x34: {  	[smem:$0x3FBB] =	sst s10  }
0x35: {  	s10 =	sld [smem:$0x3FBA];
	_ =	sdelay $0x3  }
0x36: {  	p1 =	seq.s32 s10, $0x1;
	s10 =	sld [smem:$0x3FBB];
	_ =	sdelay $0x3  }
0x37: {  	[smem:$0x3FBB] =	sst s10  }
0x38: {  	s10 =	sld [smem:$0x3FBC]  }
0x39: {  	_ = 	snop;
	(pc) =	sbr.ind lr, $3  }
0x3a: {  	_ = 	snop  }
0x3b: {  	_ = 	snop  }
0x3c: {  	p2 =	seq.s32 s10, $0x1;
	s10 =	sld [smem:$0x3FBB]  }
0x3d: {  	_ =	shalt  }
0x3e: {  	_ =	shalt  }
0x3f: {  	_ =	shalt  }
0x40: {  	_ =	shalt  }
0x41: {  	_ =	shalt  }
0x42: {  	_ =	shalt  }
0x43: {  	_ =	shalt  }
0x44: {  	_ =	shalt  }
0x45: {  	_ =	shalt  }
0x46: {  	_ =	shalt  }
0x47: {  	_ =	shalt  }
0x48: {  	_ =	shalt  }
0x49: {  	_ =	shalt  }
0x4a: {  	_ =	shalt  }
0x4b: {  	_ =	shalt  }
0x4c: {  	_ =	shalt  }
0x4d: {  	_ =	shalt  }
0x4e: {  	_ =	shalt  }
0x4f: {  	_ =	shalt  }
0x50: {  	_ =	shalt  }
0x51: {  	_ =	shalt  }
0x52: {  	_ =	shalt  }
0x53: {  	_ =	shalt  }
0x54: {  	_ =	shalt  }
0x55: {  	_ =	shalt  }
0x56: {  	_ =	shalt  }
0x57: {  	_ =	shalt  }
0x58: {  	_ =	shalt  }
0x59: {  	_ =	shalt  }
0x5a: {  	_ =	shalt  }
0x5b: {  	_ =	shalt  }
0x5c: {  	_ =	shalt  }
0x5d: {  	_ =	shalt  }
0x5e: {  	_ =	shalt  }
0x5f: {  	_ =	shalt  }
0x60: {  	_ =	shalt  }
0x61: {  	_ =	shalt  }
0x62: {  	_ =	shalt  }
0x63: {  	_ =	shalt  }
0x64: {  	_ =	shalt  }
0x65: {  	_ =	shalt  }
0x66: {  	_ =	shalt  }
0x67: {  	_ =	shalt  }
0x68: {  	_ =	shalt  }
0x69: {  	_ =	shalt  }
0x6a: {  	_ =	shalt  }
0x6b: {  	_ =	shalt  }
0x6c: {  	_ =	shalt  }
0x6d: {  	_ =	shalt  }
0x6e: {  	_ =	shalt  }
0x6f: {  	_ =	shalt  }
0x70: {  	_ =	shalt  }
0x71: {  	_ =	shalt  }
0x72: {  	_ =	shalt  }
0x73: {  	_ =	shalt  }
0x74: {  	_ =	shalt  }
0x75: {  	_ =	shalt  }
0x76: {  	_ =	shalt  }
0x77: {  	_ =	shalt  }
0x78: {  	_ =	shalt  }
0x79: {  	_ =	shalt  }
0x7a: {  	_ =	shalt  }
0x7b: {  	_ =	shalt  }
0x7c: {  	_ =	shalt  }
0x7d: {  	_ =	shalt  }
0x7e: {  	_ =	shalt  }
0x7f: {  	_ =	shalt  }
0x80: {  	_ =	shalt  }
0x81: {  	_ =	shalt  }
0x82: {  	_ =	shalt  }
0x83: {  	_ =	shalt  }
0x84: {  	_ =	shalt  }
0x85: {  	_ =	shalt  }
0x86: {  	_ =	shalt  }
0x87: {  	_ =	shalt  }
.Lfunc_end0:
.L_simem_size_0:
called_computation_lowered:
.L_overlay_start_0:
0x88: {  	s2 =	sld [smem:$0x3FD9]  }
0x89: {  	s3 =	sld [smem:$0x3FFE];
	_ =	sdelay $0x1  }
0x8a: {  	s1 =	srdreg.scid  }
0x8b: {  	s0 =	sand.u32 $0x1, s1  }
0x8c: {  	s17 =	sshll.u32 s0, $0xA;
	s2 =	sadd.s32 s3, s2  }
0x8d: {  	s2 =	sadd.s32 s2, s17  }
0x8e: {  	[smem:$0x3FC7] =	sst s2  }
0x8f: {  	_ = 	snop  }
0x90: {  	s2 =	sld [smem:$0x3FC9]  }
0x91: {  	s18 =	sld [smem:$0x3FD0];
	(tm) =	ssettm $0x1  }
0x92: {  	s4 =	sld [smem:$0x3FFB];
	_ =	sdelay $0x3  }
0x93: {  	_ =	strace s4  }
0x94: {  	s4 =	sld [smem:$0x3FFC];
	_ =	sdelay $0x3  }
0x95: {  	_ =	strace s4  }
0x96: {  	s4 =	sld [smem:$0x3FFD];
	_ =	sdelay $0x3  }
0x97: {  	_ =	strace s4  }
0x98: {  	_ =	strace $0x8FFFFFFF  }
0x99: {  	s19 =	sld [smem:$0x3FDB];
	_ =	sdelay $0x1  }
0x9a: {  	s5 =	simm.s32 $_scs_section_size  }
0x9b: {  	s6 =	simm.s32 $_size__tile_overlayer_lowered;
	s7 =	simm.s32 $_tile_overlayer_lowered  }
0x9c: {  	s22 =	simm.s32 $0x1BFF;
	s21 =	sshll.u32 s7, $0x1;
	s4 =	sadd.s32 s5, s19  }
0x9d: {  	s8 =	simm.s32 $0x0;
	s20 =	sshll.u32 s6, $0x1;
	s6 =	sadd.s32 s21, s4  }
0x9e: {  	[timem:s8], [sflag:s22] =	dma.local [hbm:s6], s20  }
0x9f: {  	_ =	swait.ge [sflag:s22], s20  }
0xa0: {  	s5 =	ssub.s32 $0x0, s20;
	[sflag:s22] =	ssyncset.done $0x0  }
0xa1: {  	[sflag:s22] =	ssyncadd.s32 s5;
	_ =	sdelay $0x1  }
0xa2: {  	s23 =	simm.s32 $0x1B8B  }
0xa3: {  	_ =	swait.ge [sflag:s23], $0x1  }
0xa4: {  	[sflag:s23] =	ssyncset.done $0x0  }
0xa5: {  	s25 =	simm.s32 $0x1B8E;
	s24 =	sld [smem:$0x3FFE];
	[sflag:s23] =	ssyncadd.s32 $0xFFFFFFFF  }
0xa6: {  	s26 =	simm.s32 $execute0_lowered;
	[smem:$0x3FD2] =	sst s25  }
0xa7: {  	s6 =	sshll.u32 s26, $0x1;
	_ =	strace $0x80000046;
	[dreg:$0x1] =	wrdreg $0xFFFFFFFF  }
0xa8: {  	s28 =	simm.s32 $_size_execute0_lowered;
	s4 =	sadd.s32 s4, s6;
	[dreg:$0x0] =	wrdreg $0x0  }
0xa9: {  	s6 =	sshll.u32 s28, $0x1;
	[dreg:$0x2] =	wrdreg s4  }
0xaa: {  	[dreg:$0x3] =	wrdreg s6  }
0xab: {  	[dreg:$0x4] =	wrdreg $0xC0  }
0xac: {  	_ =	task [dreg:s8], $0x5FFFF  }
0xad: {  	[dreg:$0x1] =	wrdreg $0xFFFFFFFF  }
0xae: {  	[dreg:$0x0] =	wrdreg $0x60  }
0xaf: {  	[dreg:$0x2] =	wrdreg s2  }
0xb0: {  	[dreg:$0x3] =	wrdreg s24  }
0xb1: {  	[dreg:$0x4] =	wrdreg s18  }
0xb2: {  	[dreg:$0x5] =	wrdreg $0x9  }
0xb3: {  	_ =	task.clear_ibuf [dreg:s8], $0x6FFFF;
	_ =	strace $0x90000046  }
0xb4: {  	s29 =	simm.s32 $0x9;
	_ =	strace $0x80000048  }
0xb5: {  	_ =	swait.ge [sflag:s29], $0x1  }
0xb6: {  	[sflag:s29] =	ssyncadd.s32 $0xFFFFFFFF  }
0xb7: {  	_ =	strace $0x90000048  }
0xb8: {  	_ =	sfence  }
0xb9: {  	s30 =	sld [smem:$0x0];
	_ =	sdelay $0x2  }
0xba: {  	s31 =	sshll.u32 s1, $0xD;
	s1 =	sshrl.u32 s1, $0x2  }
0xbb: {  	s3 =	sand.u32 $0x4000, s31;
	s1 =	sadd.s32 s1, s30  }
0xbc: {  	s0 =	sor.u32 s3, s0;
	s1 =	sshll.u32 s1, $0x11  }
0xbd: {  	s0 =	sor.u32 s1, s0  }
0xbe: {  	s0 =	sadd.s32 $0x8F2B, s0  }
0xbf: {  	[sflag:s0] =	ssyncadd.remote.s32 $0x1  }
0xc0: {  	_ =	sfence.sel $0xFFFF  }
0xc1: {  	[dreg:$0x0] =	wrdreg $0xFFFFFFFF;
	(pc) =	sbr.abs _section_cstart, $3  }
0xc2: {  	[dreg:$0x1] =	wrdreg $0xFFFFFFFF  }
0xc3: {  	_ =	task.clear_ibuf [dreg:s8], $0x2FFFF;
	_ =	strace $0x9FFFFFFF  }
0xc4: {  	(tm) =	ssettm $0x7FFFFFFF  }
0xc5: {  	_ =	shalt  }
tec
execute0_lowered:
.L_overlay_start_1:
0x0: {  	(tag) =	ssettag $0x1  }
0x1: {  	s1 =	rddreg [dreg:$0x0]  }
0x2: {  	s0 =	rddreg [dreg:$0x1]  }
0x3: {  	s2 =	rddreg [dreg:$0x2];
	s4 =	simm.s32 $0x0  }
0x4: {  	s3 =	srdreg.scid;
	s8 =	stileid.u32;
	s13 =	simm.s32 $0x400  }
0x5: {  	s14 =	simm.s32 $0x5;
	s15 =	simm.s32 $0x200;
	s16 =	simm.s32 $0x2000  }
0x6: {  	s17 =	simm.s32 $0x1;
	s18 =	simm.s32 $0xA000;
	s19 =	simm.s32 $0x100  }
0x7: {  	s20 =	simm.s32 $0x12000;
	s21 =	simm.s32 $0x16000;
	s22 =	simm.s32 $0x2  }
0x8: {  	s23 =	simm.s32 $0x3;
	s24 =	simm.s32 $0x4;
	s25 =	simm.s32 $0x0  }
0x9: {  	[smem:$0x7FF] =	sst s4;
	s3 =	sand.u32 $0x1, s3;
	s6 =	sshll.u32 s8, $0x1  }
0xa: {  	s28 =	sshll.u32 s8, $0xB;
	s8 =	sadd.s32 $0x20, s2;
	s10 =	sadd.s32 $0x60, s2  }
0xb: {  	_ =	strace $0x80000047;
	s5 =	ssub.s32 $0x2, s3;
	s3 =	sor.u32 s3, s6  }
0xc: {  	s29 =	sand.u32 $0x6000, s28;
	s7 =	sshrl.u32 s5, $0x1;
	s30 =	sshll.u32 s3, $0x4  }
0xd: {  	s0 =	sadd.s32 s0, s29;
	s31 =	sshll.u32 s3, $0x11;
	s6 =	sand.u32 $0x70, s30  }
0xe: {  	s11 =	ssub.s32 s5, s7;
	s5 =	sadd.s32 s6, s0;
	s6 =	sshll.u32 s3, $0x14  }
0xf: {  	s7 =	sadd.s32 s1, s31;
	s11 =	smax.u32 s11, $0x1;
	s9 =	sor.u32 $0x10000, s6  }
.LBB2_1:
0x10: {  	s0 =	simm.s32 $0x80  }
0x11: {  	[tilespmem:s4], [sflag:$0x5] =	stream.strided.gather [hbm4b:s5+s0], $0x2000, s13, s0, $0x38;
	[tilespmem:$0x1A000] =	vst v63  }
0x12: {  	_ =	swait.ge [sflag:s14], $0x2000  }
0x13: {  	[sflag:s14] =	ssyncset.done $0x0  }
0x14: {  	s26 =	simm.s32 $0x0;
	[sflag:s14] =	ssyncadd.s32 $0xFFFFE000  }
0x15: {  	[tilespmem:s16], [sflag:$0x1] =	stream.strided.gather [hbm4b:s7+s15], $0x8000, s13, s15, $0x38;
	[tilespmem:$0x1A000] =	vst v63  }
.LBB2_2:
0x16: {  	s30 =	sshll.u32 s26, $0x10  }
0x17: {  	s0 =	sor.u32 s6, s30  }
0x18: {  	_ =	swait.ge [sflag:s17], $0x8000;
	s28 =	sshrl.u32 s0, $0x3  }
0x19: {  	p0 =	seq.s32 s26, $0x0;
	[sflag:s17] =	ssyncset.done $0x0;
	s29 =	sor.u32 $0x40, s28  }
0x1a: {  	[sflag:s17] =	ssyncadd.s32 $0xFFFF8000;
	s0 =	simm.s32 @!p0 $0x3;
	s3 =	sadd.s32 s1, s29  }
0x1b: {  	[tilespmem:s18], [sflag:$0x2] =	stream.strided.gather [hbm4b:s3+s15], $0x8000, s13, s15, $0x38;
	[tilespmem:$0x1A000] =	vst v63  }
0x1c: {  	_ =	swait.ge @!p0 [sflag:s0], $0x4000  }
0x1d: {  	[sflag:s0] =	ssyncset.done @!p0 $0x0  }
0x1e: {  	s12 =	simm.s32 $0x40;
	[sflag:s0] =	ssyncadd.s32 @!p0 $0xFFFFC000  }
0x1f: {  	v0 =	vld [tilespmem:s12+$0xFFFFFFC0]  }
0x20: {  	v1 =	vld [tilespmem:s12+$0x30];
	_ =	sdelay $0x3  }
0x21: {  	v4 =	vld [tilespmem:s12+$0x20];
	v2 =	vshll.u32 v0, $0x2  }
0x22: {  	v5 =	vld [tilespmem:s12+$0xFFFFFFE0];
	v3 =	vshll.u32 v1, $0x2;
	v0 =	vand.u32 $0x7F, v0;
	v2 =	vand.u32 $0xFFFFFE00, v2  }
0x23: {  	v1 =	vand.u32 $0x7F, v1;
	v3 =	vand.u32 $0xFFFFFE00, v3;
	v0 =	vor.u32 v0, v2  }
0x24: {  	v6 =	vld [tilespmem:s12+$0x0];
	v1 =	vor.u32 v1, v3  }
0x25: {  	v3 =	vld [tilespmem:s12+$0x10]  }
0x26: {  	v7 =	vshll.u32 v4, $0x2;
	v2 =	vld [tilespmem:s12+$0xFFFFFFF0]  }
0x27: {  	v8 =	vld [tilespmem:s12+$0xFFFFFFD0];
	v4 =	vand.u32 $0x7F, v4;
	v14 =	vshll.u32 v5, $0x2;
	v7 =	vand.u32 $0xFFFFFE00, v7  }
0x28: {  	v5 =	vand.u32 $0x7F, v5;
	v14 =	vand.u32 $0xFFFFFE00, v14;
	v4 =	vor.u32 v4, v7;
	v9 =	vld.idx.msk [tilespmem:v0+s16+$0x0], $0xffff  }
0x29: {  	s31 =	simm.s32 $0xC0;
	v5 =	vor.u32 v5, v14;
	v10 =	vor.u32 $0x80, v0;
	v7 =	vld.idx.msk [tilespmem:v1+s16+$0x0], $0xffff  }
0x2a: {  	v15 =	vld [tilespmem:s31+$0x30];
	v12 =	vor.u32 $0x80, v1;
	v11 =	vshll.u32 v3, $0x2;
	v3 =	vand.u32 $0x7F, v3  }
0x2b: {  	v16 =	vld [tilespmem:s31+$0xFFFFFFC0];
	v13 =	vand.u32 $0x7F, v2;
	v2 =	vshll.u32 v2, $0x2;
	v11 =	vand.u32 $0xFFFFFE00, v11  }
0x2c: {  	s0 =	simm.s32 $0x12080;
	v18 =	vld [tilespmem:s31+$0x20];
	v2 =	vand.u32 $0xFFFFFE00, v2;
	v3 =	vor.u32 v3, v11;
	v11 =	vshll.u32 v6, $0x2  }
0x2d: {  	v6 =	vand.u32 $0x7F, v6;
	v13 =	vor.u32 v13, v2;
	v2 =	vand.u32 $0xFFFFFE00, v11;
	[tilespmem:s0+$0xFFFFFF80] =	vst v9;
	v9 =	vld.idx.msk [tilespmem:v4+s16+$0x0], $0xffff  }
0x2e: {  	v6 =	vor.u32 v6, v2;
	[tilespmem:s0+$0xFFFFFFF0] =	vst v7;
	v7 =	vshll.u32 v8, $0x2;
	v10 =	vld.idx.msk [tilespmem:v10+s16+$0x0], $0xffff  }
0x2f: {  	v4 =	vor.u32 $0x80, v4;
	v8 =	vand.u32 $0x7F, v8;
	v11 =	vld.idx.msk [tilespmem:v12+s16+$0x0], $0xffff;
	v7 =	vand.u32 $0xFFFFFE00, v7  }
0x30: {  	v12 =	vld.idx.msk [tilespmem:v5+s16+$0x0], $0xffff;
	v7 =	vor.u32 v8, v7  }
0x31: {  	v8 =	vld.idx.msk [tilespmem:v3+s16+$0x0], $0xffff  }
0x32: {  	v14 =	vld.idx.msk [tilespmem:v13+s16+$0x0], $0xffff;
	v3 =	vor.u32 $0x80, v3  }
0x33: {  	v5 =	vor.u32 $0x80, v5;
	v17 =	vld.idx.msk [tilespmem:v6+s16+$0x0], $0xffff;
	[tilespmem:s0+$0xFFFFFFE0] =	vst v9  }
0x34: {  	v9 =	vor.u32 $0x80, v13;
	v13 =	vld.idx.msk [tilespmem:v4+s16+$0x0], $0xffff  }
0x35: {  	v6 =	vor.u32 $0x80, v6;
	[tilespmem:s0+$0x0] =	vst v10;
	v4 =	vld.idx.msk [tilespmem:v7+s16+$0x0], $0xffff  }
0x36: {  	v0 =	vld [tilespmem:s31+$0xFFFFFFE0];
	[tilespmem:s0+$0xFFFFFFD0] =	vst v8  }
0x37: {  	[tilespmem:s0+$0xFFFFFFA0] =	vst v12;
	v19 =	vld.idx.msk [tilespmem:v3+s16+$0x0], $0xffff  }
0x38: {  	[tilespmem:s0+$0x70] =	vst v11;
	v10 =	vshll.u32 v16, $0x2;
	v3 =	vld.idx.msk [tilespmem:v5+s16+$0x0], $0xffff;
	v5 =	vshll.u32 v15, $0x2  }
0x39: {  	v2 =	vld [tilespmem:s31+$0x10];
	v11 =	vand.u32 $0x7F, v15;
	v7 =	vor.u32 $0x80, v7;
	[tilespmem:s0+$0xFFFFFFC0] =	vst v17;
	v5 =	vand.u32 $0xFFFFFE00, v5  }
0x3a: {  	v10 =	vand.u32 $0xFFFFFE00, v10;
	[tilespmem:s0+$0xFFFFFF90] =	vst v4;
	v4 =	vld.idx.msk [tilespmem:v6+s16+$0x0], $0xffff;
	v6 =	vor.u32 v11, v5;
	v11 =	vand.u32 $0x7F, v16  }
0x3b: {  	[tilespmem:s0+$0xFFFFFFB0] =	vst v14;
	v8 =	vld [tilespmem:s31+$0x0];
	v10 =	vor.u32 v11, v10  }
0x3c: {  	v9 =	vld.idx.msk [tilespmem:v9+s16+$0x0], $0xffff  }
0x3d: {  	v1 =	vld [tilespmem:s31+$0xFFFFFFF0]  }
0x3e: {  	v12 =	vshll.u32 v18, $0x2;
	[tilespmem:s0+$0x60] =	vst v13;
	v5 =	vld.idx.msk [tilespmem:v7+s16+$0x0], $0xffff  }
0x3f: {  	s3 =	simm.s32 $0x12080;
	s12 =	simm.s32 $0x8;
	v11 =	vand.u32 $0xFFFFFE00, v12;
	v7 =	vld [tilespmem:s31+$0xFFFFFFD0];
	v12 =	vand.u32 $0x7F, v18;
	[tilespmem:s0+$0x50] =	vst v19  }
.LBB2_3:
0x40: {  	s12 =	sadd.s32 $0x8, s12;
	v13 =	vld.idx.msk [tilespmem:v10+s16+$0x0], $0xffff;
	v10 =	vor.u32 $0x80, v10;
	v14 =	vshll.u32 v2, $0x2;
	v15 =	vor.u32 $0x80, v6;
	s0 =	sadd.s32 $0x100, s0  }
0x41: {  	v2 =	vand.u32 $0x7F, v2;
	v11 =	vor.u32 v12, v11;
	s31 =	sadd.s32 $0x80, s31;
	p1 =	slt.u32 s12, $0x1F8;
	v16 =	vand.u32 $0x7F, v8;
	v6 =	vld.idx.msk [tilespmem:v6+s16+$0x0], $0xffff;
	[tilespmem:s3+$0x30] =	vst v9  }
0x42: {  	v12 =	vand.u32 $0x7F, v1;
	v17 =	vshll.u32 v1, $0x2;
	v18 =	vor.u32 $0x80, v11;
	v9 =	vld [tilespmem:s31+$0xFFFFFFE0];
	[tilespmem:s3+$0x20] =	vst v3  }
0x43: {  	v17 =	vand.u32 $0xFFFFFE00, v17;
	v8 =	vshll.u32 v8, $0x2;
	v3 =	vshll.u32 v0, $0x2;
	v1 =	vld [tilespmem:s31+$0xFFFFFFF0];
	[tilespmem:s3+$0x40] =	vst v4  }
0x44: {  	v14 =	vand.u32 $0xFFFFFE00, v14;
	v3 =	vand.u32 $0xFFFFFE00, v3;
	v4 =	vld [tilespmem:s31+$0x30];
	v19 =	vand.u32 $0x7F, v7;
	[tilespmem:s3+$0x10] =	vst v5;
	s3 =	smov.u32 s0  }
0x45: {  	v20 =	vand.u32 $0x7F, v0;
	v12 =	vor.u32 v12, v17;
	v14 =	vor.u32 v2, v14;
	v5 =	vld [tilespmem:s31+$0xFFFFFFC0]  }
0x46: {  	v2 =	vshll.u32 v7, $0x2;
	v3 =	vor.u32 v20, v3;
	[tilespmem:s0+$0xFFFFFF80] =	vst v13;
	v13 =	vand.u32 $0xFFFFFE00, v8;
	v7 =	vld.idx.msk [tilespmem:v11+s16+$0x0], $0xffff  }
0x47: {  	v2 =	vand.u32 $0xFFFFFE00, v2;
	v8 =	vld.idx.msk [tilespmem:v10+s16+$0x0], $0xffff;
	v10 =	vor.u32 v16, v13;
	[tilespmem:s0+$0xFFFFFFF0] =	vst v6;
	v0 =	vmov v9  }
0x48: {  	v9 =	vor.u32 v19, v2;
	v11 =	vld.idx.msk [tilespmem:v15+s16+$0x0], $0xffff  }
0x49: {  	v2 =	vld [tilespmem:s31+$0x10];
	v6 =	vand.u32 $0x7F, v4;
	v4 =	vshll.u32 v4, $0x2  }
0x4a: {  	v13 =	vshll.u32 v5, $0x2;
	v4 =	vand.u32 $0xFFFFFE00, v4;
	v15 =	vld.idx.msk [tilespmem:v14+s16+$0x0], $0xffff  }
0x4b: {  	v13 =	vand.u32 $0xFFFFFE00, v13;
	v6 =	vor.u32 v6, v4;
	v4 =	vld.idx.msk [tilespmem:v3+s16+$0x0], $0xffff  }
0x4c: {  	v14 =	vor.u32 $0x80, v14;
	v16 =	vld.idx.msk [tilespmem:v12+s16+$0x0], $0xffff;
	[tilespmem:s0+$0xFFFFFFE0] =	vst v7  }
0x4d: {  	v3 =	vor.u32 $0x80, v3;
	[tilespmem:s0+$0x0] =	vst v8;
	v7 =	vld.idx.msk [tilespmem:v10+s16+$0x0], $0xffff  }
0x4e: {  	v8 =	vor.u32 $0x80, v12;
	v12 =	vld.idx.msk [tilespmem:v18+s16+$0x0], $0xffff;
	[tilespmem:s0+$0x70] =	vst v11  }
0x4f: {  	v11 =	vld.idx.msk [tilespmem:v9+s16+$0x0], $0xffff  }
0x50: {  	v19 =	vor.u32 $0x80, v10;
	v18 =	vor.u32 $0x80, v9;
	v17 =	vld [tilespmem:s31+$0x20];
	[tilespmem:s0+$0xFFFFFFD0] =	vst v15  }
0x51: {  	[tilespmem:s0+$0xFFFFFFA0] =	vst v4;
	v14 =	vld.idx.msk [tilespmem:v14+s16+$0x0], $0xffff  }
0x52: {  	v4 =	vand.u32 $0x7F, v5;
	v3 =	vld.idx.msk [tilespmem:v3+s16+$0x0], $0xffff;
	[tilespmem:s0+$0xFFFFFFB0] =	vst v16  }
.Ltmp0:
0x53: {  	v10 =	vor.u32 v4, v13;
	v9 =	vld.idx.msk [tilespmem:v8+s16+$0x0], $0xffff;
	[tilespmem:s0+$0xFFFFFFC0] =	vst v7;
	(pc) =	sbr.rel @p1 .LBB2_3-.Ltmp0, $4  }
0x54: {  	v8 =	vld [tilespmem:s31+$0x0];
	[tilespmem:s0+$0x60] =	vst v12  }
0x55: {  	v5 =	vshll.u32 v17, $0x2;
	[tilespmem:s0+$0xFFFFFF90] =	vst v11;
	v4 =	vld.idx.msk [tilespmem:v19+s16+$0x0], $0xffff  }
0x56: {  	v11 =	vand.u32 $0xFFFFFE00, v5;
	v5 =	vld.idx.msk [tilespmem:v18+s16+$0x0], $0xffff  }
0x57: {  	v12 =	vand.u32 $0x7F, v17;
	v7 =	vld [tilespmem:s31+$0xFFFFFFD0];
	[tilespmem:s0+$0x50] =	vst v14  }
0x58: {  	_ =	sdelay $0x2  }
0x59: {  	v13 =	vor.u32 $0x80, v10  }
0x5a: {  	v10 =	vld.idx.msk [tilespmem:v10+s16+$0x0], $0xffff;
	v14 =	vshll.u32 v2, $0x2;
	v15 =	vor.u32 $0x80, v6;
	v11 =	vor.u32 v12, v11  }
0x5b: {  	v2 =	vand.u32 $0x7F, v2;
	v6 =	vld.idx.msk [tilespmem:v6+s16+$0x0], $0xffff;
	v16 =	vand.u32 $0x7F, v1;
	v1 =	vshll.u32 v1, $0x2  }
0x5c: {  	v17 =	vshll.u32 v0, $0x2;
	v0 =	vand.u32 $0x7F, v0;
	v14 =	vand.u32 $0xFFFFFE00, v14  }
0x5d: {  	v12 =	vand.u32 $0x7F, v8;
	v1 =	vand.u32 $0xFFFFFE00, v1;
	v2 =	vor.u32 v2, v14  }
0x5e: {  	s0 =	sadd.s32 $0x100, s0;
	[tilespmem:s3+$0x30] =	vst v9;
	v8 =	vshll.u32 v8, $0x2;
	v9 =	vand.u32 $0xFFFFFE00, v17;
	v1 =	vor.u32 v16, v1  }
0x5f: {  	v0 =	vor.u32 v0, v9;
	v8 =	vand.u32 $0xFFFFFE00, v8;
	[tilespmem:s0+$0xFFFFFF80] =	vst v10;
	v10 =	vshll.u32 v7, $0x2;
	v9 =	vld.idx.msk [tilespmem:v11+s16+$0x0], $0xffff  }
0x60: {  	v8 =	vor.u32 v12, v8;
	v7 =	vand.u32 $0x7F, v7;
	[tilespmem:s0+$0xFFFFFFF0] =	vst v6;
	v13 =	vld.idx.msk [tilespmem:v13+s16+$0x0], $0xffff;
	v10 =	vand.u32 $0xFFFFFE00, v10  }
0x61: {  	[tilespmem:s3+$0x20] =	vst v3;
	v6 =	vld.idx.msk [tilespmem:v15+s16+$0x0], $0xffff;
	v3 =	vor.u32 v7, v10  }
0x62: {  	[tilespmem:s3+$0x40] =	vst v4;
	v7 =	vor.u32 $0x80, v11;
	v4 =	vld.idx.msk [tilespmem:v2+s16+$0x0], $0xffff  }
0x63: {  	[tilespmem:s3+$0x10] =	vst v5;
	v5 =	vld.idx.msk [tilespmem:v1+s16+$0x0], $0xffff;
	v2 =	vor.u32 $0x80, v2  }
0x64: {  	v10 =	vld.idx.msk [tilespmem:v0+s16+$0x0], $0xffff;
	v1 =	vor.u32 $0x80, v1;
	[tilespmem:s0+$0xFFFFFFE0] =	vst v9  }
0x65: {  	v0 =	vor.u32 $0x80, v0;
	v9 =	vld.idx.msk [tilespmem:v8+s16+$0x0], $0xffff;
	[tilespmem:s0+$0x0] =	vst v13  }
0x66: {  	v8 =	vor.u32 $0x80, v8;
	[tilespmem:s0+$0x70] =	vst v6;
	v6 =	vld.idx.msk [tilespmem:v3+s16+$0x0], $0xffff  }
0x67: {  	v7 =	vld.idx.msk [tilespmem:v7+s16+$0x0], $0xffff;
	v3 =	vor.u32 $0x80, v3;
	[tilespmem:s0+$0xFFFFFFD0] =	vst v4  }
0x68: {  	[tilespmem:s0+$0xFFFFFFB0] =	vst v5;
	v2 =	vld.idx.msk [tilespmem:v2+s16+$0x0], $0xffff  }
0x69: {  	[tilespmem:s0+$0xFFFFFFA0] =	vst v10;
	v1 =	vld.idx.msk [tilespmem:v1+s16+$0x0], $0xffff  }
0x6a: {  	v0 =	vld.idx.msk [tilespmem:v0+s16+$0x0], $0xffff;
	[tilespmem:s0+$0xFFFFFFC0] =	vst v9  }
0x6b: {  	v4 =	vld.idx.msk [tilespmem:v8+s16+$0x0], $0xffff;
	[tilespmem:s0+$0xFFFFFF90] =	vst v6  }
0x6c: {  	[tilespmem:s0+$0x60] =	vst v7;
	v3 =	vld.idx.msk [tilespmem:v3+s16+$0x0], $0xffff  }
0x6d: {  	[tilespmem:s0+$0x50] =	vst v2  }
0x6e: {  	[tilespmem:s0+$0x30] =	vst v1  }
0x6f: {  	[tilespmem:s0+$0x20] =	vst v0  }
0x70: {  	[tilespmem:s0+$0x40] =	vst v4  }
0x71: {  	s3 =	sadd.s32 s2, s28;
	[tilespmem:s0+$0x10] =	vst v3;
	s0 =	simm.s32 @!p0 $0x4  }
0x72: {  	[hbm4b:s3+s19] =	stream.strided.scatter [tilespmem:s20], [sflag:$0x3], $0x4000, s13, s19, $0x38;
	[tilespmem:$0x1A000] =	vst v63  }
0x73: {  	_ =	swait.ge @!p0 [sflag:s0], $0x4000  }
0x74: {  	[sflag:s0] =	ssyncset.done @!p0 $0x0  }
0x75: {  	s12 =	simm.s32 $0x40;
	[sflag:s0] =	ssyncadd.s32 @!p0 $0xFFFFC000  }
0x76: {  	v0 =	vld [tilespmem:s12+$0xFFFFFFC0]  }
0x77: {  	v1 =	vld [tilespmem:s12+$0x10];
	_ =	sdelay $0x2  }
0x78: {  	v3 =	vld [tilespmem:s12+$0x30]  }
0x79: {  	v5 =	vld [tilespmem:s12+$0x20];
	v2 =	vshll.u32 v0, $0x2  }
0x7a: {  	v4 =	vshll.u32 v1, $0x2;
	v0 =	vand.u32 $0x7F, v0;
	v2 =	vand.u32 $0xFFFFFE00, v2  }
0x7b: {  	v7 =	vld [tilespmem:s12+$0xFFFFFFF0];
	v1 =	vand.u32 $0x7F, v1;
	v4 =	vand.u32 $0xFFFFFE00, v4;
	v0 =	vor.u32 v0, v2  }
0x7c: {  	v9 =	vld [tilespmem:s12+$0xFFFFFFE0];
	v1 =	vor.u32 v1, v4;
	v2 =	vor.u32 $0x100, v0  }
0x7d: {  	v8 =	vshll.u32 v3, $0x2;
	v6 =	vor.u32 $0x100, v1  }
0x7e: {  	v10 =	vshll.u32 v5, $0x2;
	v3 =	vand.u32 $0x7F, v3;
	v8 =	vand.u32 $0xFFFFFE00, v8  }
0x7f: {  	v11 =	vld [tilespmem:s12+$0xFFFFFFD0];
	v5 =	vand.u32 $0x7F, v5;
	v10 =	vand.u32 $0xFFFFFE00, v10;
	v3 =	vor.u32 v3, v8  }
0x80: {  	v13 =	vshll.u32 v7, $0x2;
	v4 =	vld [tilespmem:s12+$0x0];
	v5 =	vor.u32 v5, v10;
	v8 =	vor.u32 $0x100, v3  }
0x81: {  	v15 =	vand.u32 $0x7F, v9;
	v13 =	vand.u32 $0xFFFFFE00, v13;
	v10 =	vor.u32 $0x100, v5;
	v2 =	vld.idx.msk [tilespmem:v2+s16+$0x0], $0xffff  }
0x82: {  	v12 =	vor.u32 $0x180, v0;
	v14 =	vor.u32 $0x180, v1;
	v1 =	vand.u32 $0x7F, v7;
	v6 =	vld.idx.msk [tilespmem:v6+s16+$0x0], $0xffff  }
0x83: {  	s0 =	simm.s32 $0xC0;
	v3 =	vor.u32 $0x180, v3;
	v13 =	vor.u32 v1, v13;
	v1 =	vshll.u32 v9, $0x2  }
0x84: {  	v60 =	vld [tilespmem:s0+$0x10];
	v9 =	vand.u32 $0x7F, v11;
	v11 =	vshll.u32 v11, $0x2;
	v61 =	vor.u32 $0x100, v13  }
0x85: {  	s31 =	simm.s32 $0x16080;
	v19 =	vand.u32 $0xFFFFFE00, v1;
	v11 =	vand.u32 $0xFFFFFE00, v11;
	v18 =	vshll.u32 v4, $0x2;
	v8 =	vld.idx.msk [tilespmem:v8+s16+$0x0], $0xffff  }
0x86: {  	v15 =	vor.u32 v15, v19;
	v4 =	vand.u32 $0x7F, v4;
	v10 =	vld.idx.msk [tilespmem:v10+s16+$0x0], $0xffff;
	[tilespmem:s31+$0xFFFFFF80] =	vst v2;
	v2 =	vand.u32 $0xFFFFFE00, v18  }
0x87: {  	v9 =	vor.u32 v9, v11;
	[tilespmem:s31+$0xFFFFFFD0] =	vst v6;
	v6 =	vor.u32 $0x100, v15;
	v2 =	vor.u32 v4, v2;
	v4 =	vld.idx.msk [tilespmem:v12+s16+$0x0], $0xffff  }
0x88: {  	v12 =	vld.idx.msk [tilespmem:v14+s16+$0x0], $0xffff;
	v14 =	vor.u32 $0x100, v9  }
0x89: {  	v7 =	vld [tilespmem:s0+$0xFFFFFFC0]  }
0x8a: {  	v17 =	vld.idx.msk [tilespmem:v61+s16+$0x0], $0xffff;
	[tilespmem:s31+$0xFFFFFFF0] =	vst v8;
	v11 =	vor.u32 $0x100, v2  }
0x8b: {  	v8 =	vor.u32 $0x180, v13;
	v13 =	vld.idx.msk [tilespmem:v3+s16+$0x0], $0xffff  }
0x8c: {  	v5 =	vor.u32 $0x180, v5;
	v3 =	vld.idx.msk [tilespmem:v6+s16+$0x0], $0xffff  }
0x8d: {  	[tilespmem:s31+$0xFFFFFFE0] =	vst v10;
	v10 =	vld.idx.msk [tilespmem:v14+s16+$0x0], $0xffff  }
0x8e: {  	v14 =	vor.u32 $0x180, v15;
	v15 =	vld [tilespmem:s0+$0x30]  }
0x8f: {  	v11 =	vld.idx.msk [tilespmem:v11+s16+$0x0], $0xffff  }
0x90: {  	v62 =	vld [tilespmem:s0+$0x20];
	[tilespmem:s31+$0xFFFFFFB0] =	vst v17  }
0x91: {  	v63 =	vld.idx.msk [tilespmem:v5+s16+$0x0], $0xffff;
	v5 =	vshll.u32 v60, $0x2;
	v6 =	vshll.u32 v7, $0x2;
	[tilespmem:s31+$0x0] =	vst v4  }
0x92: {  	v0 =	vld [tilespmem:s0+$0x0];
	v2 =	vor.u32 $0x180, v2;
	v7 =	vand.u32 $0x7F, v7;
	v6 =	vand.u32 $0xFFFFFE00, v6;
	[tilespmem:s31+$0x50] =	vst v12  }
0x93: {  	v1 =	vld [tilespmem:s0+$0xFFFFFFE0];
	v5 =	vand.u32 $0xFFFFFE00, v5;
	v4 =	vor.u32 $0x180, v9;
	v6 =	vor.u32 v7, v6;
	[tilespmem:s31+$0xFFFFFFA0] =	vst v3  }
0x94: {  	v9 =	vld.idx.msk [tilespmem:v8+s16+$0x0], $0xffff;
	v12 =	vor.u32 $0x100, v6;
	v3 =	vand.u32 $0x7F, v60;
	[tilespmem:s31+$0xFFFFFFC0] =	vst v11;
	v11 =	vshll.u32 v15, $0x2  }
0x95: {  	v8 =	vld [tilespmem:s0+$0xFFFFFFF0];
	[tilespmem:s31+$0x70] =	vst v13;
	v3 =	vor.u32 v3, v5;
	v13 =	vand.u32 $0x7F, v15;
	v11 =	vand.u32 $0xFFFFFE00, v11  }
0x96: {  	v7 =	vld.idx.msk [tilespmem:v14+s16+$0x0], $0xffff;
	v11 =	vor.u32 v13, v11;
	v13 =	vor.u32 $0x100, v3  }
0x97: {  	[tilespmem:s31+$0xFFFFFF90] =	vst v10;
	v10 =	vld [tilespmem:s0+$0xFFFFFFD0]  }
0x98: {  	v5 =	vld.idx.msk [tilespmem:v2+s16+$0x0], $0xffff;
	v2 =	vshll.u32 v62, $0x2  }
0x99: {  	[tilespmem:s31+$0x60] =	vst v63;
	v14 =	vand.u32 $0x7F, v62;
	v4 =	vld.idx.msk [tilespmem:v4+s16+$0x0], $0xffff;
	v2 =	vand.u32 $0xFFFFFE00, v2  }
0x9a: {  	s3 =	simm.s32 $0x16080;
	s12 =	simm.s32 $0x8;
	[tilespmem:s31+$0x30] =	vst v9;
	v9 =	vld.idx.msk [tilespmem:v12+s16+$0x0], $0xffff;
	v2 =	vor.u32 v14, v2;
	v12 =	vor.u32 $0x100, v11  }
.LBB2_5:
0x9b: {  	s12 =	sadd.s32 $0x8, s12;
	v6 =	vor.u32 $0x180, v6;
	v13 =	vld.idx.msk [tilespmem:v13+s16+$0x0], $0xffff;
	v3 =	vor.u32 $0x180, v3;
	v14 =	vor.u32 $0x100, v2;
	s0 =	sadd.s32 $0x80, s0;
	s31 =	sadd.s32 $0x100, s31  }
0x9c: {  	v16 =	vand.u32 $0x7F, v8;
	v8 =	vshll.u32 v8, $0x2;
	v11 =	vor.u32 $0x180, v11;
	v15 =	vld [tilespmem:s0+$0x0];
	p0 =	slt.u32 s12, $0x1F8;
	[tilespmem:s3+$0x20] =	vst v7  }
0x9d: {  	v17 =	vand.u32 $0x7F, v1;
	v1 =	vshll.u32 v1, $0x2;
	v8 =	vand.u32 $0xFFFFFE00, v8;
	v7 =	vld [tilespmem:s0+$0xFFFFFFC0];
	[tilespmem:s3+$0x40] =	vst v5  }
0x9e: {  	v8 =	vor.u32 v16, v8;
	v16 =	vshll.u32 v0, $0x2;
	v5 =	vld [tilespmem:s0+$0x10];
	v18 =	vand.u32 $0x7F, v10;
	[tilespmem:s3+$0x10] =	vst v4;
	s3 =	smov.u32 s31  }
0x9f: {  	v0 =	vand.u32 $0x7F, v0;
	v4 =	vshll.u32 v10, $0x2;
	v10 =	vor.u32 $0x100, v8;
	v12 =	vld.idx.msk [tilespmem:v12+s16+$0x0], $0xffff  }
0xa0: {  	v16 =	vand.u32 $0xFFFFFE00, v16;
	v4 =	vand.u32 $0xFFFFFE00, v4;
	[tilespmem:s31+$0xFFFFFF80] =	vst v9;
	v9 =	vand.u32 $0xFFFFFE00, v1;
	v14 =	vld.idx.msk [tilespmem:v14+s16+$0x0], $0xffff  }
0xa1: {  	v16 =	vor.u32 v0, v16;
	v4 =	vor.u32 v18, v4;
	v1 =	vld [tilespmem:s0+$0xFFFFFFE0];
	v9 =	vor.u32 v17, v9;
	[tilespmem:s31+$0xFFFFFFD0] =	vst v13  }
0xa2: {  	v18 =	vor.u32 $0x100, v16;
	v17 =	vor.u32 $0x100, v4;
	v0 =	vmovc v15;
	v13 =	vld.idx.msk [tilespmem:v6+s16+$0x0], $0xffff;
	v6 =	vor.u32 $0x100, v9  }
0xa3: {  	v15 =	vshll.u32 v5, $0x2;
	v19 =	vld.idx.msk [tilespmem:v3+s16+$0x0], $0xffff  }
0xa4: {  	v3 =	vand.u32 $0x7F, v5;
	v5 =	vand.u32 $0xFFFFFE00, v15;
	v10 =	vld.idx.msk [tilespmem:v10+s16+$0x0], $0xffff  }
0xa5: {  	v3 =	vor.u32 v3, v5;
	v15 =	vld [tilespmem:s0+$0x20];
	[tilespmem:s31+$0xFFFFFFF0] =	vst v12  }
0xa6: {  	v8 =	vor.u32 $0x180, v8;
	v5 =	vshll.u32 v7, $0x2;
	[tilespmem:s31+$0xFFFFFFE0] =	vst v14;
	v11 =	vld.idx.msk [tilespmem:v11+s16+$0x0], $0xffff  }
0xa7: {  	v2 =	vor.u32 $0x180, v2;
	v7 =	vand.u32 $0x7F, v7;
	v5 =	vand.u32 $0xFFFFFE00, v5;
	v12 =	vld.idx.msk [tilespmem:v6+s16+$0x0], $0xffff  }
0xa8: {  	v6 =	vor.u32 v7, v5;
	[tilespmem:s31+$0x0] =	vst v13;
	v5 =	vld.idx.msk [tilespmem:v18+s16+$0x0], $0xffff  }
0xa9: {  	v7 =	vor.u32 $0x180, v9;
	v14 =	vld.idx.msk [tilespmem:v17+s16+$0x0], $0xffff;
	[tilespmem:s31+$0x50] =	vst v19  }
0xaa: {  	v4 =	vor.u32 $0x180, v4;
	v9 =	vld [tilespmem:s0+$0x30];
	[tilespmem:s31+$0xFFFFFFB0] =	vst v10;
	v10 =	vor.u32 $0x180, v16  }
0xab: {  	v16 =	vld.idx.msk [tilespmem:v8+s16+$0x0], $0xffff  }
0xac: {  	v17 =	vld.idx.msk [tilespmem:v2+s16+$0x0], $0xffff;
	[tilespmem:s31+$0x70] =	vst v11  }
0xad: {  	v2 =	vor.u32 $0x100, v6;
	v8 =	vld [tilespmem:s0+$0xFFFFFFF0];
	[tilespmem:s31+$0xFFFFFFA0] =	vst v12  }
.Ltmp1:
0xae: {  	v13 =	vor.u32 $0x100, v3;
	v7 =	vld.idx.msk [tilespmem:v7+s16+$0x0], $0xffff;
	[tilespmem:s31+$0xFFFFFFC0] =	vst v5;
	(pc) =	sbr.rel @p0 .LBB2_5-.Ltmp1, $4  }
0xaf: {  	v11 =	vshll.u32 v9, $0x2;
	[tilespmem:s31+$0xFFFFFF90] =	vst v14;
	v5 =	vld.idx.msk [tilespmem:v10+s16+$0x0], $0xffff  }
0xb0: {  	v12 =	vshll.u32 v15, $0x2;
	v9 =	vand.u32 $0x7F, v9;
	v11 =	vand.u32 $0xFFFFFE00, v11;
	v4 =	vld.idx.msk [tilespmem:v4+s16+$0x0], $0xffff  }
0xb1: {  	v12 =	vand.u32 $0xFFFFFE00, v12;
	v14 =	vand.u32 $0x7F, v15;
	v10 =	vld [tilespmem:s0+$0xFFFFFFD0];
	v11 =	vor.u32 v9, v11;
	[tilespmem:s31+$0x30] =	vst v16  }
0xb2: {  	v9 =	vld.idx.msk [tilespmem:v2+s16+$0x0], $0xffff;
	v2 =	vor.u32 v14, v12;
	v12 =	vor.u32 $0x100, v11;
	[tilespmem:s31+$0x60] =	vst v17  }
0xb3: {  	_ = 	snop  }
0xb4: {  	v6 =	vor.u32 $0x180, v6;
	v3 =	vor.u32 $0x180, v3  }
0xb5: {  	v14 =	vor.u32 $0x100, v2;
	v15 =	vand.u32 $0x7F, v8;
	v8 =	vshll.u32 v8, $0x2  }
0xb6: {  	v16 =	vand.u32 $0x7F, v1;
	v1 =	vshll.u32 v1, $0x2;
	v8 =	vand.u32 $0xFFFFFE00, v8  }
0xb7: {  	v13 =	vld.idx.msk [tilespmem:v13+s16+$0x0], $0xffff;
	v1 =	vand.u32 $0xFFFFFE00, v1;
	v8 =	vor.u32 v15, v8;
	v15 =	vshll.u32 v0, $0x2  }
0xb8: {  	v0 =	vand.u32 $0x7F, v0;
	v1 =	vor.u32 v16, v1;
	v17 =	vand.u32 $0x7F, v10  }
0xb9: {  	[tilespmem:s3+$0x20] =	vst v7;
	v10 =	vshll.u32 v10, $0x2;
	v18 =	vor.u32 $0x100, v8;
	v15 =	vand.u32 $0xFFFFFE00, v15  }
0xba: {  	s0 =	sadd.s32 $0x100, s31;
	v7 =	vld.idx.msk [tilespmem:v12+s16+$0x0], $0xffff;
	[tilespmem:s3+$0x40] =	vst v5;
	v12 =	vor.u32 $0x100, v1;
	v10 =	vand.u32 $0xFFFFFE00, v10;
	v0 =	vor.u32 v0, v15  }
0xbb: {  	[tilespmem:s0+$0xFFFFFF80] =	vst v9;
	v9 =	vld.idx.msk [tilespmem:v14+s16+$0x0], $0xffff;
	v10 =	vor.u32 v17, v10;
	v14 =	vor.u32 $0x100, v0  }
0xbc: {  	v5 =	vld.idx.msk [tilespmem:v6+s16+$0x0], $0xffff;
	[tilespmem:s0+$0xFFFFFFD0] =	vst v13;
	v6 =	vor.u32 $0x100, v10  }
0xbd: {  	v11 =	vor.u32 $0x180, v11;
	v3 =	vld.idx.msk [tilespmem:v3+s16+$0x0], $0xffff  }
0xbe: {  	v2 =	vor.u32 $0x180, v2;
	[tilespmem:s3+$0x10] =	vst v4;
	v13 =	vld.idx.msk [tilespmem:v18+s16+$0x0], $0xffff  }
0xbf: {  	v4 =	vor.u32 $0x180, v8;
	[tilespmem:s0+$0xFFFFFFF0] =	vst v7;
	v7 =	vld.idx.msk [tilespmem:v12+s16+$0x0], $0xffff  }
0xc0: {  	v1 =	vor.u32 $0x180, v1;
	[tilespmem:s0+$0xFFFFFFE0] =	vst v9;
	v8 =	vld.idx.msk [tilespmem:v14+s16+$0x0], $0xffff  }
0xc1: {  	v0 =	vor.u32 $0x180, v0;
	[tilespmem:s0+$0x0] =	vst v5;
	v5 =	vld.idx.msk [tilespmem:v6+s16+$0x0], $0xffff  }
0xc2: {  	v9 =	vor.u32 $0x180, v10;
	v6 =	vld.idx.msk [tilespmem:v11+s16+$0x0], $0xffff;
	[tilespmem:s0+$0x50] =	vst v3  }
0xc3: {  	v2 =	vld.idx.msk [tilespmem:v2+s16+$0x0], $0xffff;
	[tilespmem:s0+$0xFFFFFFB0] =	vst v13  }
0xc4: {  	[tilespmem:s0+$0xFFFFFFA0] =	vst v7;
	v3 =	vld.idx.msk [tilespmem:v4+s16+$0x0], $0xffff  }
0xc5: {  	v1 =	vld.idx.msk [tilespmem:v1+s16+$0x0], $0xffff;
	[tilespmem:s0+$0xFFFFFFC0] =	vst v8  }
0xc6: {  	[tilespmem:s0+$0xFFFFFF90] =	vst v5;
	v0 =	vld.idx.msk [tilespmem:v0+s16+$0x0], $0xffff  }
0xc7: {  	[tilespmem:s0+$0x70] =	vst v6;
	v4 =	vld.idx.msk [tilespmem:v9+s16+$0x0], $0xffff  }
0xc8: {  	[tilespmem:s0+$0x60] =	vst v2  }
0xc9: {  	[tilespmem:s0+$0x30] =	vst v3  }
0xca: {  	[tilespmem:s0+$0x20] =	vst v1  }
0xcb: {  	[tilespmem:s0+$0x40] =	vst v0  }
0xcc: {  	s12 =	sadd.s32 s28, s8;
	p0 =	seq.s32 s26, $0xF;
	[tilespmem:s0+$0x10] =	vst v4  }
0xcd: {  	[hbm4b:s12+s19] =	stream.strided.scatter [tilespmem:s21], [sflag:$0x4], $0x4000, s13, s19, $0x38;
	[tilespmem:$0x1A000] =	vst v63  }
0xce: {  	s3 =	simm.s32 @!p0 $0x200;
	s0 =	sadd.s32 @!p0 s30, s9;
	_ =	swait.ge [sflag:s22], $0x8000  }
0xcf: {  	s30 =	simm.s32 @!p0 $0x2000;
	s0 =	sshrl.u32 @!p0 s0, $0x3;
	[sflag:s22] =	ssyncset.done $0x0  }
0xd0: {  	s12 =	simm.s32 @!p0 $0x400;
	s0 =	sadd.s32 @!p0 s1, s0;
	[sflag:s22] =	ssyncadd.s32 $0xFFFF8000  }
0xd1: {  	[tilespmem:s30], [sflag:$0x1] =	stream.strided.gather @!p0 [hbm4b:s0+s3], $0x8000, s12, s3, $0x38;
	[tilespmem:$0x1A000] =	vst v63  }
0xd2: {  	_ =	swait.ge [sflag:s23], $0x4000  }
0xd3: {  	[sflag:s23] =	ssyncset.done $0x0  }
0xd4: {  	s31 =	simm.s32 $0x40;
	[sflag:s23] =	ssyncadd.s32 $0xFFFFC000  }
0xd5: {  	v0 =	vld [tilespmem:s31+$0xFFFFFFC0]  }
0xd6: {  	v1 =	vld [tilespmem:s31+$0x30];
	_ =	sdelay $0x3  }
0xd7: {  	v4 =	vld [tilespmem:s31+$0x20];
	v2 =	vshll.u32 v0, $0x2  }
0xd8: {  	v5 =	vld [tilespmem:s31+$0xFFFFFFE0];
	v3 =	vshll.u32 v1, $0x2;
	v0 =	vand.u32 $0x7F, v0;
	v2 =	vand.u32 $0xFFFFFE00, v2  }
0xd9: {  	v1 =	vand.u32 $0x7F, v1;
	v3 =	vand.u32 $0xFFFFFE00, v3;
	v0 =	vor.u32 v0, v2  }
0xda: {  	v6 =	vld [tilespmem:s31+$0x0];
	v1 =	vor.u32 v1, v3  }
0xdb: {  	v3 =	vld [tilespmem:s31+$0x10]  }
0xdc: {  	v7 =	vshll.u32 v4, $0x2;
	v2 =	vld [tilespmem:s31+$0xFFFFFFF0]  }
0xdd: {  	v8 =	vld [tilespmem:s31+$0xFFFFFFD0];
	v4 =	vand.u32 $0x7F, v4;
	v14 =	vshll.u32 v5, $0x2;
	v7 =	vand.u32 $0xFFFFFE00, v7  }
0xde: {  	v5 =	vand.u32 $0x7F, v5;
	v14 =	vand.u32 $0xFFFFFE00, v14;
	v4 =	vor.u32 v4, v7;
	v9 =	vld.idx.msk [tilespmem:v0+s18+$0x0], $0xffff  }
0xdf: {  	s30 =	simm.s32 $0xC0;
	v5 =	vor.u32 v5, v14;
	v10 =	vor.u32 $0x80, v0;
	v7 =	vld.idx.msk [tilespmem:v1+s18+$0x0], $0xffff  }
0xe0: {  	v15 =	vld [tilespmem:s30+$0x30];
	v12 =	vor.u32 $0x80, v1;
	v11 =	vshll.u32 v3, $0x2;
	v3 =	vand.u32 $0x7F, v3  }
0xe1: {  	v61 =	vld [tilespmem:s30+$0xFFFFFFC0];
	v13 =	vand.u32 $0x7F, v2;
	v2 =	vshll.u32 v2, $0x2;
	v11 =	vand.u32 $0xFFFFFE00, v11  }
0xe2: {  	s0 =	simm.s32 $0x12080;
	v63 =	vld [tilespmem:s30+$0x20];
	v2 =	vand.u32 $0xFFFFFE00, v2;
	v3 =	vor.u32 v3, v11;
	v11 =	vshll.u32 v6, $0x2  }
0xe3: {  	v6 =	vand.u32 $0x7F, v6;
	v13 =	vor.u32 v13, v2;
	v2 =	vand.u32 $0xFFFFFE00, v11;
	[tilespmem:s0+$0xFFFFFF80] =	vst v9;
	v9 =	vld.idx.msk [tilespmem:v4+s18+$0x0], $0xffff  }
0xe4: {  	v6 =	vor.u32 v6, v2;
	[tilespmem:s0+$0xFFFFFFF0] =	vst v7;
	v7 =	vshll.u32 v8, $0x2;
	v10 =	vld.idx.msk [tilespmem:v10+s18+$0x0], $0xffff  }
0xe5: {  	v4 =	vor.u32 $0x80, v4;
	v8 =	vand.u32 $0x7F, v8;
	v11 =	vld.idx.msk [tilespmem:v12+s18+$0x0], $0xffff;
	v7 =	vand.u32 $0xFFFFFE00, v7  }
0xe6: {  	v12 =	vld.idx.msk [tilespmem:v5+s18+$0x0], $0xffff;
	v7 =	vor.u32 v8, v7  }
0xe7: {  	v8 =	vld.idx.msk [tilespmem:v3+s18+$0x0], $0xffff  }
0xe8: {  	v14 =	vld.idx.msk [tilespmem:v13+s18+$0x0], $0xffff;
	v3 =	vor.u32 $0x80, v3  }
0xe9: {  	v5 =	vor.u32 $0x80, v5;
	v62 =	vld.idx.msk [tilespmem:v6+s18+$0x0], $0xffff;
	[tilespmem:s0+$0xFFFFFFE0] =	vst v9  }
0xea: {  	v9 =	vor.u32 $0x80, v13;
	v13 =	vld.idx.msk [tilespmem:v4+s18+$0x0], $0xffff  }
0xeb: {  	v6 =	vor.u32 $0x80, v6;
	[tilespmem:s0+$0x0] =	vst v10;
	v4 =	vld.idx.msk [tilespmem:v7+s18+$0x0], $0xffff  }
0xec: {  	v0 =	vld [tilespmem:s30+$0xFFFFFFE0];
	[tilespmem:s0+$0xFFFFFFD0] =	vst v8  }
0xed: {  	[tilespmem:s0+$0xFFFFFFA0] =	vst v12;
	v19 =	vld.idx.msk [tilespmem:v3+s18+$0x0], $0xffff  }
0xee: {  	[tilespmem:s0+$0x70] =	vst v11;
	v10 =	vshll.u32 v61, $0x2;
	v3 =	vld.idx.msk [tilespmem:v5+s18+$0x0], $0xffff;
	v5 =	vshll.u32 v15, $0x2  }
0xef: {  	v2 =	vld [tilespmem:s30+$0x10];
	v11 =	vand.u32 $0x7F, v15;
	v7 =	vor.u32 $0x80, v7;
	[tilespmem:s0+$0xFFFFFFC0] =	vst v62;
	v5 =	vand.u32 $0xFFFFFE00, v5  }
0xf0: {  	v10 =	vand.u32 $0xFFFFFE00, v10;
	[tilespmem:s0+$0xFFFFFF90] =	vst v4;
	v4 =	vld.idx.msk [tilespmem:v6+s18+$0x0], $0xffff;
	v6 =	vor.u32 v11, v5;
	v11 =	vand.u32 $0x7F, v61  }
0xf1: {  	[tilespmem:s0+$0xFFFFFFB0] =	vst v14;
	v8 =	vld [tilespmem:s30+$0x0];
	v10 =	vor.u32 v11, v10  }
0xf2: {  	v9 =	vld.idx.msk [tilespmem:v9+s18+$0x0], $0xffff  }
0xf3: {  	v1 =	vld [tilespmem:s30+$0xFFFFFFF0]  }
0xf4: {  	v12 =	vshll.u32 v63, $0x2;
	[tilespmem:s0+$0x60] =	vst v13;
	v5 =	vld.idx.msk [tilespmem:v7+s18+$0x0], $0xffff  }
0xf5: {  	s12 =	simm.s32 $0x8;
	s3 =	simm.s32 $0x12080;
	v11 =	vand.u32 $0xFFFFFE00, v12;
	v7 =	vld [tilespmem:s30+$0xFFFFFFD0];
	v12 =	vand.u32 $0x7F, v63;
	[tilespmem:s0+$0x50] =	vst v19  }
.LBB2_7:
0xf6: {  	s12 =	sadd.s32 $0x8, s12;
	v13 =	vld.idx.msk [tilespmem:v10+s18+$0x0], $0xffff;
	v10 =	vor.u32 $0x80, v10;
	v14 =	vshll.u32 v2, $0x2;
	v15 =	vor.u32 $0x80, v6;
	s0 =	sadd.s32 $0x100, s0  }
0xf7: {  	v2 =	vand.u32 $0x7F, v2;
	v11 =	vor.u32 v12, v11;
	s30 =	sadd.s32 $0x80, s30;
	p0 =	slt.u32 s12, $0x1F8;
	v16 =	vand.u32 $0x7F, v8;
	v6 =	vld.idx.msk [tilespmem:v6+s18+$0x0], $0xffff;
	[tilespmem:s3+$0x30] =	vst v9  }
0xf8: {  	v12 =	vand.u32 $0x7F, v1;
	v17 =	vshll.u32 v1, $0x2;
	v18 =	vor.u32 $0x80, v11;
	v9 =	vld [tilespmem:s30+$0xFFFFFFE0];
	[tilespmem:s3+$0x20] =	vst v3  }
0xf9: {  	v17 =	vand.u32 $0xFFFFFE00, v17;
	v8 =	vshll.u32 v8, $0x2;
	v3 =	vshll.u32 v0, $0x2;
	v1 =	vld [tilespmem:s30+$0xFFFFFFF0];
	[tilespmem:s3+$0x40] =	vst v4  }
0xfa: {  	v14 =	vand.u32 $0xFFFFFE00, v14;
	v3 =	vand.u32 $0xFFFFFE00, v3;
	v4 =	vld [tilespmem:s30+$0x30];
	v19 =	vand.u32 $0x7F, v7;
	[tilespmem:s3+$0x10] =	vst v5;
	s3 =	smov.u32 s0  }
0xfb: {  	v20 =	vand.u32 $0x7F, v0;
	v12 =	vor.u32 v12, v17;
	v14 =	vor.u32 v2, v14;
	v5 =	vld [tilespmem:s30+$0xFFFFFFC0]  }
0xfc: {  	v2 =	vshll.u32 v7, $0x2;
	v3 =	vor.u32 v20, v3;
	[tilespmem:s0+$0xFFFFFF80] =	vst v13;
	v13 =	vand.u32 $0xFFFFFE00, v8;
	v7 =	vld.idx.msk [tilespmem:v11+s18+$0x0], $0xffff  }
0xfd: {  	v2 =	vand.u32 $0xFFFFFE00, v2;
	v8 =	vld.idx.msk [tilespmem:v10+s18+$0x0], $0xffff;
	v10 =	vor.u32 v16, v13;
	[tilespmem:s0+$0xFFFFFFF0] =	vst v6;
	v0 =	vmov v9  }
0xfe: {  	v9 =	vor.u32 v19, v2;
	v11 =	vld.idx.msk [tilespmem:v15+s18+$0x0], $0xffff  }
0xff: {  	v2 =	vld [tilespmem:s30+$0x10];
	v6 =	vand.u32 $0x7F, v4;
	v4 =	vshll.u32 v4, $0x2  }
0x100: {  	v13 =	vshll.u32 v5, $0x2;
	v4 =	vand.u32 $0xFFFFFE00, v4;
	v15 =	vld.idx.msk [tilespmem:v14+s18+$0x0], $0xffff  }
0x101: {  	v13 =	vand.u32 $0xFFFFFE00, v13;
	v6 =	vor.u32 v6, v4;
	v4 =	vld.idx.msk [tilespmem:v3+s18+$0x0], $0xffff  }
0x102: {  	v14 =	vor.u32 $0x80, v14;
	v16 =	vld.idx.msk [tilespmem:v12+s18+$0x0], $0xffff;
	[tilespmem:s0+$0xFFFFFFE0] =	vst v7  }
0x103: {  	v3 =	vor.u32 $0x80, v3;
	[tilespmem:s0+$0x0] =	vst v8;
	v7 =	vld.idx.msk [tilespmem:v10+s18+$0x0], $0xffff  }
0x104: {  	v8 =	vor.u32 $0x80, v12;
	v12 =	vld.idx.msk [tilespmem:v18+s18+$0x0], $0xffff;
	[tilespmem:s0+$0x70] =	vst v11  }
0x105: {  	v11 =	vld.idx.msk [tilespmem:v9+s18+$0x0], $0xffff  }
0x106: {  	v19 =	vor.u32 $0x80, v10;
	v18 =	vor.u32 $0x80, v9;
	v17 =	vld [tilespmem:s30+$0x20];
	[tilespmem:s0+$0xFFFFFFD0] =	vst v15  }
0x107: {  	[tilespmem:s0+$0xFFFFFFA0] =	vst v4;
	v14 =	vld.idx.msk [tilespmem:v14+s18+$0x0], $0xffff  }
0x108: {  	v4 =	vand.u32 $0x7F, v5;
	v3 =	vld.idx.msk [tilespmem:v3+s18+$0x0], $0xffff;
	[tilespmem:s0+$0xFFFFFFB0] =	vst v16  }
.Ltmp2:
0x109: {  	v10 =	vor.u32 v4, v13;
	v9 =	vld.idx.msk [tilespmem:v8+s18+$0x0], $0xffff;
	[tilespmem:s0+$0xFFFFFFC0] =	vst v7;
	(pc) =	sbr.rel @p0 .LBB2_7-.Ltmp2, $4  }
0x10a: {  	v8 =	vld [tilespmem:s30+$0x0];
	[tilespmem:s0+$0x60] =	vst v12  }
0x10b: {  	v5 =	vshll.u32 v17, $0x2;
	[tilespmem:s0+$0xFFFFFF90] =	vst v11;
	v4 =	vld.idx.msk [tilespmem:v19+s18+$0x0], $0xffff  }
0x10c: {  	v11 =	vand.u32 $0xFFFFFE00, v5;
	v5 =	vld.idx.msk [tilespmem:v18+s18+$0x0], $0xffff  }
0x10d: {  	v12 =	vand.u32 $0x7F, v17;
	v7 =	vld [tilespmem:s30+$0xFFFFFFD0];
	[tilespmem:s0+$0x50] =	vst v14  }
0x10e: {  	_ =	sdelay $0x2  }
0x10f: {  	v13 =	vor.u32 $0x80, v10  }
0x110: {  	v10 =	vld.idx.msk [tilespmem:v10+s18+$0x0], $0xffff;
	v14 =	vshll.u32 v2, $0x2;
	v15 =	vor.u32 $0x80, v6;
	v11 =	vor.u32 v12, v11  }
0x111: {  	v2 =	vand.u32 $0x7F, v2;
	v6 =	vld.idx.msk [tilespmem:v6+s18+$0x0], $0xffff;
	v16 =	vand.u32 $0x7F, v1;
	v1 =	vshll.u32 v1, $0x2  }
0x112: {  	v17 =	vshll.u32 v0, $0x2;
	v0 =	vand.u32 $0x7F, v0;
	v14 =	vand.u32 $0xFFFFFE00, v14  }
0x113: {  	v12 =	vand.u32 $0x7F, v8;
	v1 =	vand.u32 $0xFFFFFE00, v1;
	v2 =	vor.u32 v2, v14  }
0x114: {  	s0 =	sadd.s32 $0x100, s0;
	[tilespmem:s3+$0x30] =	vst v9;
	v8 =	vshll.u32 v8, $0x2;
	v9 =	vand.u32 $0xFFFFFE00, v17;
	v1 =	vor.u32 v16, v1  }
0x115: {  	v0 =	vor.u32 v0, v9;
	v8 =	vand.u32 $0xFFFFFE00, v8;
	[tilespmem:s0+$0xFFFFFF80] =	vst v10;
	v10 =	vshll.u32 v7, $0x2;
	v9 =	vld.idx.msk [tilespmem:v11+s18+$0x0], $0xffff  }
0x116: {  	v8 =	vor.u32 v12, v8;
	v7 =	vand.u32 $0x7F, v7;
	[tilespmem:s0+$0xFFFFFFF0] =	vst v6;
	v13 =	vld.idx.msk [tilespmem:v13+s18+$0x0], $0xffff;
	v10 =	vand.u32 $0xFFFFFE00, v10  }
0x117: {  	[tilespmem:s3+$0x20] =	vst v3;
	v6 =	vld.idx.msk [tilespmem:v15+s18+$0x0], $0xffff;
	v3 =	vor.u32 v7, v10  }
0x118: {  	[tilespmem:s3+$0x40] =	vst v4;
	v7 =	vor.u32 $0x80, v11;
	v4 =	vld.idx.msk [tilespmem:v2+s18+$0x0], $0xffff  }
0x119: {  	[tilespmem:s3+$0x10] =	vst v5;
	v5 =	vld.idx.msk [tilespmem:v1+s18+$0x0], $0xffff;
	v2 =	vor.u32 $0x80, v2  }
0x11a: {  	v10 =	vld.idx.msk [tilespmem:v0+s18+$0x0], $0xffff;
	v1 =	vor.u32 $0x80, v1;
	[tilespmem:s0+$0xFFFFFFE0] =	vst v9  }
0x11b: {  	v0 =	vor.u32 $0x80, v0;
	v9 =	vld.idx.msk [tilespmem:v8+s18+$0x0], $0xffff;
	[tilespmem:s0+$0x0] =	vst v13  }
0x11c: {  	v8 =	vor.u32 $0x80, v8;
	[tilespmem:s0+$0x70] =	vst v6;
	v6 =	vld.idx.msk [tilespmem:v3+s18+$0x0], $0xffff  }
0x11d: {  	v7 =	vld.idx.msk [tilespmem:v7+s18+$0x0], $0xffff;
	v3 =	vor.u32 $0x80, v3;
	[tilespmem:s0+$0xFFFFFFD0] =	vst v4  }
0x11e: {  	[tilespmem:s0+$0xFFFFFFB0] =	vst v5;
	v2 =	vld.idx.msk [tilespmem:v2+s18+$0x0], $0xffff  }
0x11f: {  	[tilespmem:s0+$0xFFFFFFA0] =	vst v10;
	v1 =	vld.idx.msk [tilespmem:v1+s18+$0x0], $0xffff  }
0x120: {  	v0 =	vld.idx.msk [tilespmem:v0+s18+$0x0], $0xffff;
	[tilespmem:s0+$0xFFFFFFC0] =	vst v9  }
0x121: {  	v4 =	vld.idx.msk [tilespmem:v8+s18+$0x0], $0xffff;
	[tilespmem:s0+$0xFFFFFF90] =	vst v6  }
0x122: {  	[tilespmem:s0+$0x60] =	vst v7;
	v3 =	vld.idx.msk [tilespmem:v3+s18+$0x0], $0xffff  }
0x123: {  	[tilespmem:s0+$0x50] =	vst v2  }
0x124: {  	[tilespmem:s0+$0x30] =	vst v1  }
0x125: {  	[tilespmem:s0+$0x20] =	vst v0  }
0x126: {  	[tilespmem:s0+$0x40] =	vst v4  }
0x127: {  	s30 =	sadd.s32 s2, s29;
	[tilespmem:s0+$0x10] =	vst v3  }
0x128: {  	[hbm4b:s30+s19] =	stream.strided.scatter [tilespmem:s20], [sflag:$0x3], $0x4000, s13, s19, $0x38;
	[tilespmem:$0x1A000] =	vst v63  }
0x129: {  	_ =	swait.ge [sflag:s24], $0x4000  }
0x12a: {  	[sflag:s24] =	ssyncset.done $0x0  }
0x12b: {  	s31 =	simm.s32 $0x40;
	[sflag:s24] =	ssyncadd.s32 $0xFFFFC000  }
0x12c: {  	v0 =	vld [tilespmem:s31+$0xFFFFFFC0]  }
0x12d: {  	v1 =	vld [tilespmem:s31+$0x10];
	_ =	sdelay $0x2  }
0x12e: {  	v3 =	vld [tilespmem:s31+$0x30]  }
0x12f: {  	v5 =	vld [tilespmem:s31+$0x20];
	v2 =	vshll.u32 v0, $0x2  }
0x130: {  	v4 =	vshll.u32 v1, $0x2;
	v0 =	vand.u32 $0x7F, v0;
	v2 =	vand.u32 $0xFFFFFE00, v2  }
0x131: {  	v7 =	vld [tilespmem:s31+$0xFFFFFFF0];
	v1 =	vand.u32 $0x7F, v1;
	v4 =	vand.u32 $0xFFFFFE00, v4;
	v0 =	vor.u32 v0, v2  }
0x132: {  	v9 =	vld [tilespmem:s31+$0xFFFFFFE0];
	v1 =	vor.u32 v1, v4;
	v2 =	vor.u32 $0x100, v0  }
0x133: {  	v8 =	vshll.u32 v3, $0x2;
	v6 =	vor.u32 $0x100, v1  }
0x134: {  	v10 =	vshll.u32 v5, $0x2;
	v3 =	vand.u32 $0x7F, v3;
	v8 =	vand.u32 $0xFFFFFE00, v8  }
0x135: {  	v11 =	vld [tilespmem:s31+$0xFFFFFFD0];
	v5 =	vand.u32 $0x7F, v5;
	v10 =	vand.u32 $0xFFFFFE00, v10;
	v3 =	vor.u32 v3, v8  }
0x136: {  	v13 =	vshll.u32 v7, $0x2;
	v4 =	vld [tilespmem:s31+$0x0];
	v5 =	vor.u32 v5, v10;
	v8 =	vor.u32 $0x100, v3  }
0x137: {  	v15 =	vand.u32 $0x7F, v9;
	v13 =	vand.u32 $0xFFFFFE00, v13;
	v10 =	vor.u32 $0x100, v5;
	v2 =	vld.idx.msk [tilespmem:v2+s18+$0x0], $0xffff  }
0x138: {  	v12 =	vor.u32 $0x180, v0;
	v14 =	vor.u32 $0x180, v1;
	v1 =	vand.u32 $0x7F, v7;
	v6 =	vld.idx.msk [tilespmem:v6+s18+$0x0], $0xffff  }
0x139: {  	s0 =	simm.s32 $0xC0;
	v3 =	vor.u32 $0x180, v3;
	v13 =	vor.u32 v1, v13;
	v1 =	vshll.u32 v9, $0x2  }
0x13a: {  	v60 =	vld [tilespmem:s0+$0x10];
	v9 =	vand.u32 $0x7F, v11;
	v11 =	vshll.u32 v11, $0x2;
	v61 =	vor.u32 $0x100, v13  }
0x13b: {  	s29 =	simm.s32 $0x16080;
	v19 =	vand.u32 $0xFFFFFE00, v1;
	v11 =	vand.u32 $0xFFFFFE00, v11;
	v18 =	vshll.u32 v4, $0x2;
	v8 =	vld.idx.msk [tilespmem:v8+s18+$0x0], $0xffff  }
0x13c: {  	v15 =	vor.u32 v15, v19;
	v4 =	vand.u32 $0x7F, v4;
	v10 =	vld.idx.msk [tilespmem:v10+s18+$0x0], $0xffff;
	[tilespmem:s29+$0xFFFFFF80] =	vst v2;
	v2 =	vand.u32 $0xFFFFFE00, v18  }
0x13d: {  	v9 =	vor.u32 v9, v11;
	[tilespmem:s29+$0xFFFFFFD0] =	vst v6;
	v6 =	vor.u32 $0x100, v15;
	v2 =	vor.u32 v4, v2;
	v4 =	vld.idx.msk [tilespmem:v12+s18+$0x0], $0xffff  }
0x13e: {  	v12 =	vld.idx.msk [tilespmem:v14+s18+$0x0], $0xffff;
	v14 =	vor.u32 $0x100, v9  }
0x13f: {  	v7 =	vld [tilespmem:s0+$0xFFFFFFC0]  }
0x140: {  	v17 =	vld.idx.msk [tilespmem:v61+s18+$0x0], $0xffff;
	[tilespmem:s29+$0xFFFFFFF0] =	vst v8;
	v11 =	vor.u32 $0x100, v2  }
0x141: {  	v8 =	vor.u32 $0x180, v13;
	v13 =	vld.idx.msk [tilespmem:v3+s18+$0x0], $0xffff  }
0x142: {  	v5 =	vor.u32 $0x180, v5;
	v3 =	vld.idx.msk [tilespmem:v6+s18+$0x0], $0xffff  }
0x143: {  	[tilespmem:s29+$0xFFFFFFE0] =	vst v10;
	v10 =	vld.idx.msk [tilespmem:v14+s18+$0x0], $0xffff  }
0x144: {  	v14 =	vor.u32 $0x180, v15;
	v15 =	vld [tilespmem:s0+$0x30]  }
0x145: {  	v11 =	vld.idx.msk [tilespmem:v11+s18+$0x0], $0xffff  }
0x146: {  	v62 =	vld [tilespmem:s0+$0x20];
	[tilespmem:s29+$0xFFFFFFB0] =	vst v17  }
0x147: {  	v63 =	vld.idx.msk [tilespmem:v5+s18+$0x0], $0xffff;
	v5 =	vshll.u32 v60, $0x2;
	v6 =	vshll.u32 v7, $0x2;
	[tilespmem:s29+$0x0] =	vst v4  }
0x148: {  	v0 =	vld [tilespmem:s0+$0x0];
	v2 =	vor.u32 $0x180, v2;
	v7 =	vand.u32 $0x7F, v7;
	v6 =	vand.u32 $0xFFFFFE00, v6;
	[tilespmem:s29+$0x50] =	vst v12  }
0x149: {  	v1 =	vld [tilespmem:s0+$0xFFFFFFE0];
	v5 =	vand.u32 $0xFFFFFE00, v5;
	v4 =	vor.u32 $0x180, v9;
	v6 =	vor.u32 v7, v6;
	[tilespmem:s29+$0xFFFFFFA0] =	vst v3  }
0x14a: {  	v9 =	vld.idx.msk [tilespmem:v8+s18+$0x0], $0xffff;
	v12 =	vor.u32 $0x100, v6;
	v3 =	vand.u32 $0x7F, v60;
	[tilespmem:s29+$0xFFFFFFC0] =	vst v11;
	v11 =	vshll.u32 v15, $0x2  }
0x14b: {  	v8 =	vld [tilespmem:s0+$0xFFFFFFF0];
	[tilespmem:s29+$0x70] =	vst v13;
	v3 =	vor.u32 v3, v5;
	v13 =	vand.u32 $0x7F, v15;
	v11 =	vand.u32 $0xFFFFFE00, v11  }
0x14c: {  	v7 =	vld.idx.msk [tilespmem:v14+s18+$0x0], $0xffff;
	v11 =	vor.u32 v13, v11;
	v13 =	vor.u32 $0x100, v3  }
0x14d: {  	[tilespmem:s29+$0xFFFFFF90] =	vst v10;
	v10 =	vld [tilespmem:s0+$0xFFFFFFD0]  }
0x14e: {  	v5 =	vld.idx.msk [tilespmem:v2+s18+$0x0], $0xffff;
	v2 =	vshll.u32 v62, $0x2  }
0x14f: {  	[tilespmem:s29+$0x60] =	vst v63;
	v14 =	vand.u32 $0x7F, v62;
	v4 =	vld.idx.msk [tilespmem:v4+s18+$0x0], $0xffff;
	v2 =	vand.u32 $0xFFFFFE00, v2  }
0x150: {  	s12 =	simm.s32 $0x8;
	s3 =	simm.s32 $0x16080;
	[tilespmem:s29+$0x30] =	vst v9;
	v9 =	vld.idx.msk [tilespmem:v12+s18+$0x0], $0xffff;
	v2 =	vor.u32 v14, v2;
	v12 =	vor.u32 $0x100, v11  }
.LBB2_9:
0x151: {  	s12 =	sadd.s32 $0x8, s12;
	v6 =	vor.u32 $0x180, v6;
	v13 =	vld.idx.msk [tilespmem:v13+s18+$0x0], $0xffff;
	v3 =	vor.u32 $0x180, v3;
	v14 =	vor.u32 $0x100, v2;
	s0 =	sadd.s32 $0x80, s0;
	s29 =	sadd.s32 $0x100, s29  }
0x152: {  	v16 =	vand.u32 $0x7F, v8;
	v8 =	vshll.u32 v8, $0x2;
	v11 =	vor.u32 $0x180, v11;
	v15 =	vld [tilespmem:s0+$0x0];
	p0 =	slt.u32 s12, $0x1F8;
	[tilespmem:s3+$0x20] =	vst v7  }
0x153: {  	v17 =	vand.u32 $0x7F, v1;
	v1 =	vshll.u32 v1, $0x2;
	v8 =	vand.u32 $0xFFFFFE00, v8;
	v7 =	vld [tilespmem:s0+$0xFFFFFFC0];
	[tilespmem:s3+$0x40] =	vst v5  }
0x154: {  	v8 =	vor.u32 v16, v8;
	v16 =	vshll.u32 v0, $0x2;
	v5 =	vld [tilespmem:s0+$0x10];
	v18 =	vand.u32 $0x7F, v10;
	[tilespmem:s3+$0x10] =	vst v4;
	s3 =	smov.u32 s29  }
0x155: {  	v0 =	vand.u32 $0x7F, v0;
	v4 =	vshll.u32 v10, $0x2;
	v10 =	vor.u32 $0x100, v8;
	v12 =	vld.idx.msk [tilespmem:v12+s18+$0x0], $0xffff  }
0x156: {  	v16 =	vand.u32 $0xFFFFFE00, v16;
	v4 =	vand.u32 $0xFFFFFE00, v4;
	[tilespmem:s29+$0xFFFFFF80] =	vst v9;
	v9 =	vand.u32 $0xFFFFFE00, v1;
	v14 =	vld.idx.msk [tilespmem:v14+s18+$0x0], $0xffff  }
0x157: {  	v16 =	vor.u32 v0, v16;
	v4 =	vor.u32 v18, v4;
	v1 =	vld [tilespmem:s0+$0xFFFFFFE0];
	v9 =	vor.u32 v17, v9;
	[tilespmem:s29+$0xFFFFFFD0] =	vst v13  }
0x158: {  	v18 =	vor.u32 $0x100, v16;
	v17 =	vor.u32 $0x100, v4;
	v0 =	vmovc v15;
	v13 =	vld.idx.msk [tilespmem:v6+s18+$0x0], $0xffff;
	v6 =	vor.u32 $0x100, v9  }
0x159: {  	v15 =	vshll.u32 v5, $0x2;
	v19 =	vld.idx.msk [tilespmem:v3+s18+$0x0], $0xffff  }
0x15a: {  	v3 =	vand.u32 $0x7F, v5;
	v5 =	vand.u32 $0xFFFFFE00, v15;
	v10 =	vld.idx.msk [tilespmem:v10+s18+$0x0], $0xffff  }
0x15b: {  	v3 =	vor.u32 v3, v5;
	v15 =	vld [tilespmem:s0+$0x20];
	[tilespmem:s29+$0xFFFFFFF0] =	vst v12  }
0x15c: {  	v8 =	vor.u32 $0x180, v8;
	v5 =	vshll.u32 v7, $0x2;
	[tilespmem:s29+$0xFFFFFFE0] =	vst v14;
	v11 =	vld.idx.msk [tilespmem:v11+s18+$0x0], $0xffff  }
0x15d: {  	v2 =	vor.u32 $0x180, v2;
	v7 =	vand.u32 $0x7F, v7;
	v5 =	vand.u32 $0xFFFFFE00, v5;
	v12 =	vld.idx.msk [tilespmem:v6+s18+$0x0], $0xffff  }
0x15e: {  	v6 =	vor.u32 v7, v5;
	[tilespmem:s29+$0x0] =	vst v13;
	v5 =	vld.idx.msk [tilespmem:v18+s18+$0x0], $0xffff  }
0x15f: {  	v7 =	vor.u32 $0x180, v9;
	v14 =	vld.idx.msk [tilespmem:v17+s18+$0x0], $0xffff;
	[tilespmem:s29+$0x50] =	vst v19  }
0x160: {  	v4 =	vor.u32 $0x180, v4;
	v9 =	vld [tilespmem:s0+$0x30];
	[tilespmem:s29+$0xFFFFFFB0] =	vst v10;
	v10 =	vor.u32 $0x180, v16  }
0x161: {  	v16 =	vld.idx.msk [tilespmem:v8+s18+$0x0], $0xffff  }
0x162: {  	v17 =	vld.idx.msk [tilespmem:v2+s18+$0x0], $0xffff;
	[tilespmem:s29+$0x70] =	vst v11  }
0x163: {  	v2 =	vor.u32 $0x100, v6;
	v8 =	vld [tilespmem:s0+$0xFFFFFFF0];
	[tilespmem:s29+$0xFFFFFFA0] =	vst v12  }
.Ltmp3:
0x164: {  	v13 =	vor.u32 $0x100, v3;
	v7 =	vld.idx.msk [tilespmem:v7+s18+$0x0], $0xffff;
	[tilespmem:s29+$0xFFFFFFC0] =	vst v5;
	(pc) =	sbr.rel @p0 .LBB2_9-.Ltmp3, $4  }
0x165: {  	v11 =	vshll.u32 v9, $0x2;
	[tilespmem:s29+$0xFFFFFF90] =	vst v14;
	v5 =	vld.idx.msk [tilespmem:v10+s18+$0x0], $0xffff  }
0x166: {  	v12 =	vshll.u32 v15, $0x2;
	v9 =	vand.u32 $0x7F, v9;
	v11 =	vand.u32 $0xFFFFFE00, v11;
	v4 =	vld.idx.msk [tilespmem:v4+s18+$0x0], $0xffff  }
0x167: {  	v12 =	vand.u32 $0xFFFFFE00, v12;
	v14 =	vand.u32 $0x7F, v15;
	v10 =	vld [tilespmem:s0+$0xFFFFFFD0];
	v11 =	vor.u32 v9, v11;
	[tilespmem:s29+$0x30] =	vst v16  }
0x168: {  	v9 =	vld.idx.msk [tilespmem:v2+s18+$0x0], $0xffff;
	v2 =	vor.u32 v14, v12;
	v12 =	vor.u32 $0x100, v11;
	[tilespmem:s29+$0x60] =	vst v17  }
0x169: {  	_ = 	snop  }
0x16a: {  	v6 =	vor.u32 $0x180, v6;
	v3 =	vor.u32 $0x180, v3  }
0x16b: {  	v14 =	vor.u32 $0x100, v2;
	v15 =	vand.u32 $0x7F, v8;
	v42 =	vshll.u32 v8, $0x2  }
0x16c: {  	v16 =	vand.u32 $0x7F, v1;
	v43 =	vshll.u32 v1, $0x2;
	v44 =	vshll.u32 v0, $0x2  }
0x16d: {  	v13 =	vld.idx.msk [tilespmem:v13+s18+$0x0], $0xffff;
	v47 =	vand.u32 $0x7F, v0;
	v8 =	vand.u32 $0xFFFFFE00, v42;
	v1 =	vand.u32 $0xFFFFFE00, v43  }
0x16e: {  	v8 =	vor.u32 v15, v8;
	v1 =	vor.u32 v16, v1;
	v15 =	vand.u32 $0xFFFFFE00, v44  }
0x16f: {  	v17 =	vand.u32 $0x7F, v10;
	v45 =	vor.u32 $0x100, v8;
	v46 =	vshll.u32 v10, $0x2  }
0x170: {  	[tilespmem:s3+$0x20] =	vst v7;
	s0 =	sadd.s32 $0x100, s29;
	v48 =	vld.idx.msk [tilespmem:v12+s18+$0x0], $0xffff;
	v0 =	vor.u32 v47, v15;
	v49 =	vor.u32 $0x100, v1;
	v10 =	vand.u32 $0xFFFFFE00, v46  }
0x171: {  	[tilespmem:s0+$0xFFFFFF80] =	vst v9;
	v51 =	vor.u32 $0x100, v0;
	v50 =	vld.idx.msk [tilespmem:v14+s18+$0x0], $0xffff;
	v10 =	vor.u32 v17, v10  }
0x172: {  	v52 =	vld.idx.msk [tilespmem:v6+s18+$0x0], $0xffff;
	[tilespmem:s0+$0xFFFFFFD0] =	vst v13;
	v53 =	vor.u32 $0x100, v10  }
0x173: {  	v11 =	vor.u32 $0x180, v11;
	[tilespmem:s3+$0x40] =	vst v5;
	v3 =	vld.idx.msk [tilespmem:v3+s18+$0x0], $0xffff  }
0x174: {  	v57 =	vor.u32 $0x180, v2;
	[tilespmem:s3+$0x10] =	vst v4;
	v54 =	vld.idx.msk [tilespmem:v45+s18+$0x0], $0xffff  }
0x175: {  	v55 =	vor.u32 $0x180, v8;
	[tilespmem:s0+$0xFFFFFFF0] =	vst v48;
	v56 =	vld.idx.msk [tilespmem:v49+s18+$0x0], $0xffff  }
0x176: {  	v1 =	vor.u32 $0x180, v1;
	v58 =	vld.idx.msk [tilespmem:v51+s18+$0x0], $0xffff;
	[tilespmem:s0+$0xFFFFFFE0] =	vst v50  }
0x177: {  	v0 =	vor.u32 $0x180, v0;
	[tilespmem:s0+$0x0] =	vst v52;
	v59 =	vld.idx.msk [tilespmem:v53+s18+$0x0], $0xffff  }
0x178: {  	v60 =	vld.idx.msk [tilespmem:v11+s18+$0x0], $0xffff;
	v61 =	vor.u32 $0x180, v10;
	[tilespmem:s0+$0x50] =	vst v3  }
0x179: {  	v2 =	vld.idx.msk [tilespmem:v57+s18+$0x0], $0xffff;
	[tilespmem:s0+$0xFFFFFFB0] =	vst v54  }
0x17a: {  	[tilespmem:s0+$0xFFFFFFA0] =	vst v56;
	v62 =	vld.idx.msk [tilespmem:v55+s18+$0x0], $0xffff  }
0x17b: {  	v1 =	vld.idx.msk [tilespmem:v1+s18+$0x0], $0xffff;
	[tilespmem:s0+$0xFFFFFFC0] =	vst v58  }
0x17c: {  	v0 =	vld.idx.msk [tilespmem:v0+s18+$0x0], $0xffff;
	[tilespmem:s0+$0xFFFFFF90] =	vst v59  }
0x17d: {  	s26 =	sadd.s32 $0x1, s26;
	[tilespmem:s0+$0x70] =	vst v60;
	v63 =	vld.idx.msk [tilespmem:v61+s18+$0x0], $0xffff  }
0x17e: {  	p0 =	sne.s32 s26, $0x10;
	[tilespmem:s0+$0x60] =	vst v2  }
.Ltmp4:
0x17f: {  	[tilespmem:s0+$0x30] =	vst v62;
	(pc) =	sbr.rel @p0 .LBB2_2-.Ltmp4, $4  }
0x180: {  	[tilespmem:s0+$0x20] =	vst v1  }
0x181: {  	[tilespmem:s0+$0x40] =	vst v0  }
0x182: {  	s31 =	sadd.s32 s28, s10;
	[tilespmem:s0+$0x10] =	vst v63  }
0x183: {  	[hbm4b:s31+s19] =	stream.strided.scatter [tilespmem:s21], [sflag:$0x4], $0x4000, s13, s19, $0x38;
	[tilespmem:$0x1A000] =	vst v63  }
0x184: {  	s25 =	sadd.s32 $0x1, s25  }
0x185: {  	_ =	swait.ge [sflag:s23], $0x4000;
	p0 =	sne.s32 s25, s11  }
.Ltmp5:
0x186: {  	[sflag:s23] =	ssyncset.done $0x0;
	(pc) =	sbr.rel @p0 .LBB2_1-.Ltmp5, $4  }
0x187: {  	[sflag:s23] =	ssyncadd.s32 $0xFFFFC000  }
0x188: {  	_ =	swait.ge [sflag:s24], $0x4000  }
0x189: {  	[sflag:s24] =	ssyncset.done $0x0  }
0x18a: {  	[sflag:s24] =	ssyncadd.s32 $0xFFFFC000  }
0x18b: {  	_ =	sfence.sel $0x180000  }
0x18c: {  	[bflag:$0x0] =	sbarrier.arrive $0xFFFF  }
0x18d: {  	_ =	strace $0x90000047  }
0x18e: {  	s0 =	stileid.u32;
	[bflag:$0x2] =	sbarrier.arrive $0xFFFF  }
0x18f: {  	p0 =	sne.s32 s0, $0x0;
	s0 =	rddreg [dreg:$0x3]  }
0x190: {  	s0 =	sadd.s32 @!p0 $0x100000, s0  }
0x191: {  	[sflag:s0] =	ssyncadd.tile.s32 @!p0 $0x1;
	_ =	shalt  }
.Lfunc_end2:
_tile_overlayer_lowered:
.L_overlay_start_2:
0x192: {  	(tag) =	ssettag $0x2  }
0x193: {  	s0 =	rddreg [dreg:$0x0];
	s2 =	stileid.u32  }
0x194: {  	s1 =	rddreg [dreg:$0x1];
	p0 =	sne.s32 s2, $0x0  }
0x195: {  	s3 =	rddreg [dreg:$0x2];
	[bflag:$0x3] =	sbarrier.arrive $0xFFFF;
	s2 =	simm.s32 @!p0 $0x1C05  }
0x196: {  	[timem:s3], [sflag:s2] =	dma.local @!p0 [hbm:s0], s1  }
0x197: {  	s0 =	simm.s32 @!p0 $0x5  }
0x198: {  	_ =	swait.ge @!p0 [sflag:s0], s1  }
0x199: {  	s1 =	ssub.s32 @!p0 $0x0, s1;
	[sflag:s0] =	ssyncset.done @!p0 $0x0  }
0x19a: {  	[sflag:s0] =	ssyncadd.s32 @!p0 s1  }
0x19b: {  	[bflag:$0x3] =	sbarrier.arrive $0xFFFF  }
0x19c: {  	_ =	shalt  }

</sc_bundles>
